<compile_context>
chip_gen: v7x
topology: tpu7x:2x2x1
jax: 0.10.2.dev20260603
libtpu: 0.0.44.dev20260713+nightly
codegen_flags: <defaults>
</compile_context>

<pallas_src>
import functools

import jax
import jax.numpy as jnp
from jax import lax
from jax.experimental import pallas as pl
from jax.experimental.pallas import tpu as pltpu
from jax.experimental.pallas import tpu_sc as plsc

NUM_SEGMENTS = 8
K = 16
ATT_DIM = 32
D_COMB = 131
D_PAD = 256
LANE_BATCH = 131
ROW_TILE = 1000
Q_TILE = 128


def _combined_tile(x, pos, batchf, w):
    (fa_w1, fa_b1, fa_w2, fa_b2, pa_w1, pa_b1, pa_w2, pa_b2) = w
    l32 = lax.broadcasted_iota(jnp.int32, (1, 32), 1)
    band = (l32 // 2).astype(jnp.float32)
    freqs = 1.0 + band * jnp.float32(9.0 / 63.0)
    parity = l32 % 2
    xf = pos[:, 0:1] * freqs
    enc = jnp.where(parity == 0, jnp.sin(xf), jnp.cos(xf))

    fe = jnp.concatenate([x, enc], axis=1)
    pe = jnp.concatenate([pos, enc], axis=1)

    h1 = jnp.maximum(jnp.dot(fe, fa_w1, preferred_element_type=jnp.float32)
                     + fa_b1, 0.0)
    fw = jnp.dot(h1, fa_w2, preferred_element_type=jnp.float32) + fa_b2
    h2 = jnp.maximum(jnp.dot(pe, pa_w1, preferred_element_type=jnp.float32)
                     + pa_b1, 0.0)
    pw = jnp.dot(h2, pa_w2, preferred_element_type=jnp.float32) + pa_b2

    m = jnp.maximum(fw, pw)
    ef = jnp.exp(fw - m)
    ep = jnp.exp(pw - m)
    denom = ef + ep
    return jnp.concatenate([pe * (ep / denom), fe * (ef / denom)], axis=1)


def _stage1_kernel(x_ref, pos_ref, batchf_ref,
                   fa_w1_ref, fa_b1_ref, fa_w2_ref, fa_b2_ref,
                   pa_w1_ref, pa_b1_ref, pa_w2_ref, pa_b2_ref,
                   comb_ref, cnt_ref, sum_ref, sq_ref):
    batchf = batchf_ref[...]
    w = (fa_w1_ref[...], fa_b1_ref[...], fa_w2_ref[...], fa_b2_ref[...],
         pa_w1_ref[...], pa_b1_ref[...], pa_w2_ref[...], pa_b2_ref[...])
    combined = _combined_tile(x_ref[...], pos_ref[...], batchf, w)
    comb_ref[...] = combined

    @pl.when(pl.program_id(0) == 0)
    def _init():
        cnt_ref[...] = jnp.zeros_like(cnt_ref)
        sum_ref[...] = jnp.zeros_like(sum_ref)
        sq_ref[...] = jnp.zeros_like(sq_ref)

    cnts = []
    sums = []
    sqs = []
    for s in range(NUM_SEGMENTS):
        msk = (batchf == float(s))
        cm = jnp.where(msk, combined, 0.0)
        cnts.append(jnp.sum(jnp.where(msk, 1.0, 0.0)).reshape(1, 1))
        sums.append(jnp.sum(cm, axis=0, keepdims=True))
        sqs.append(jnp.sum(cm * cm, axis=0, keepdims=True))
    cnt_ref[...] += jnp.concatenate(cnts, axis=0)
    sum_ref[...] += jnp.concatenate(sums, axis=0)
    sq_ref[...] += jnp.concatenate(sqs, axis=0)


def _stage2_kernel(comb_ref, batchf_ref, cnt_ref, sum_ref, sq_ref,
                   table_ref, cn_ref):
    combined = comb_ref[...]
    batchf = batchf_ref[...]
    t = combined.shape[0]

    mean_full = jnp.zeros_like(combined)
    std_full = jnp.zeros_like(combined)
    for s in range(NUM_SEGMENTS):
        cnt = cnt_ref[s, 0]
        ssum = sum_ref[s:s + 1, :]
        sqsum = sq_ref[s:s + 1, :]
        cnt_c = jnp.maximum(cnt, 1.0)
        mean = ssum / cnt_c
        var = (sqsum - ssum * ssum / cnt_c) / jnp.maximum(cnt_c - 1.0, 1.0)
        std = jnp.sqrt(jnp.clip(var, 0.0, None))
        msk = (batchf == float(s))
        mean_full = jnp.where(msk, mean, mean_full)
        std_full = jnp.where(msk, std, std_full)
    normed = (combined - mean_full) / (std_full + 1e-8)

    cn_ref[...] = jnp.sum(normed * normed, axis=1, keepdims=True)
    pad = jnp.zeros((t, D_PAD - D_COMB - 1), jnp.float32)
    table_ref[...] = jnp.concatenate([normed, batchf, pad], axis=1)


def _make_sc_gather(b_total):
    info = plsc.get_sparse_core_info()
    nc, ns = info.num_cores, info.num_subcores
    nw = nc * ns
    b_per_w = b_total // nw
    mesh = plsc.VectorSubcoreMesh(core_axis_name="c", subcore_axis_name="s")

    @functools.partial(
        pl.kernel, mesh=mesh,
        out_type=jax.ShapeDtypeStruct((b_total, D_PAD), jnp.float32),
        scratch_types=[
            pltpu.VMEM((b_per_w,), jnp.int32),
            pltpu.VMEM((b_per_w, D_PAD), jnp.float32),
            pltpu.SemaphoreType.DMA,
        ],
    )
    def gather(table_hbm, idx_hbm, out_hbm, idx_v, rows_v, sem):
        wid = lax.axis_index("s") * nc + lax.axis_index("c")
        base = wid * b_per_w
        pltpu.sync_copy(idx_hbm.at[pl.ds(base, b_per_w)], idx_v)
        pltpu.async_copy(table_hbm.at[idx_v], rows_v, sem).wait()
        pltpu.sync_copy(rows_v, out_hbm.at[pl.ds(base, b_per_w)])

    return gather


def _dist_topk_kernel(q_ref, table_ref, cnrow_ref, brow_ref, col_ref, dist_s):
    q = q_ref[...]
    tbl = table_ref[...]
    lane = lax.broadcasted_iota(jnp.int32, (1, D_PAD), 1)
    qm = jnp.where(lane < D_COMB, q, 0.0)
    qn = jnp.sum(qm * qm, axis=1, keepdims=True)
    dot = lax.dot_general(qm, tbl, (((1,), (1,)), ((), ())),
                          preferred_element_type=jnp.float32)
    dist = (qn + cnrow_ref[...]) - 2.0 * dot
    bq = q[:, LANE_BATCH:LANE_BATCH + 1]
    dist = jnp.where(bq != brow_ref[...], 1e10, dist)
    dist_s[...] = dist

    bq_n = dist.shape[0]
    n = dist.shape[1]
    col_iota = lax.broadcasted_iota(jnp.int32, (1, n), 1)
    k_iota = lax.broadcasted_iota(jnp.int32, (bq_n, K), 1)

    def body(k, col_acc):
        d = dist_s[...]
        mn = jnp.min(d, axis=1, keepdims=True)
        idx = jnp.min(jnp.where(d == mn, col_iota, n), axis=1,
                      keepdims=True)
        dist_s[...] = jnp.where(col_iota == idx, jnp.float32(3e38), d)
        return jnp.where(k_iota == k, idx, col_acc)

    col_ref[...] = lax.fori_loop(0, K, body, jnp.zeros((bq_n, K), jnp.int32))


def kernel(x, pos, batch, focal_points, fa_w1, fa_b1, fa_w2, fa_b2,
           pa_w1, pa_b1, pa_w2, pa_b2):
    n = x.shape[0]
    qn_total = focal_points.shape[0]
    batchf = batch.astype(jnp.float32).reshape(n, 1)
    n_row_tiles = n // ROW_TILE

    weights = (fa_w1, fa_b1.reshape(1, ATT_DIM), fa_w2, fa_b2.reshape(1, 1),
               pa_w1, pa_b1.reshape(1, ATT_DIM), pa_w2, pa_b2.reshape(1, 1))
    w_specs = [pl.BlockSpec(w.shape, lambda i: (0, 0)) for w in weights]

    comb, cnt, ssum, sq = pl.pallas_call(
        _stage1_kernel,
        grid=(n_row_tiles,),
        in_specs=[
            pl.BlockSpec((ROW_TILE, 64), lambda i: (i, 0)),
            pl.BlockSpec((ROW_TILE, 3), lambda i: (i, 0)),
            pl.BlockSpec((ROW_TILE, 1), lambda i: (i, 0)),
        ] + w_specs,
        out_specs=(
            pl.BlockSpec((ROW_TILE, D_COMB), lambda i: (i, 0)),
            pl.BlockSpec((NUM_SEGMENTS, 1), lambda i: (0, 0)),
            pl.BlockSpec((NUM_SEGMENTS, D_COMB), lambda i: (0, 0)),
            pl.BlockSpec((NUM_SEGMENTS, D_COMB), lambda i: (0, 0)),
        ),
        out_shape=(
            jax.ShapeDtypeStruct((n, D_COMB), jnp.float32),
            jax.ShapeDtypeStruct((NUM_SEGMENTS, 1), jnp.float32),
            jax.ShapeDtypeStruct((NUM_SEGMENTS, D_COMB), jnp.float32),
            jax.ShapeDtypeStruct((NUM_SEGMENTS, D_COMB), jnp.float32),
        ),
    )(x, pos, batchf, *weights)

    table, cn = pl.pallas_call(
        _stage2_kernel,
        grid=(n_row_tiles,),
        in_specs=[
            pl.BlockSpec((ROW_TILE, D_COMB), lambda i: (i, 0)),
            pl.BlockSpec((ROW_TILE, 1), lambda i: (i, 0)),
            pl.BlockSpec((NUM_SEGMENTS, 1), lambda i: (0, 0)),
            pl.BlockSpec((NUM_SEGMENTS, D_COMB), lambda i: (0, 0)),
            pl.BlockSpec((NUM_SEGMENTS, D_COMB), lambda i: (0, 0)),
        ],
        out_specs=(
            pl.BlockSpec((ROW_TILE, D_PAD), lambda i: (i, 0)),
            pl.BlockSpec((ROW_TILE, 1), lambda i: (i, 0)),
        ),
        out_shape=(
            jax.ShapeDtypeStruct((n, D_PAD), jnp.float32),
            jax.ShapeDtypeStruct((n, 1), jnp.float32),
        ),
    )(comb, batchf, cnt, ssum, sq)

    q = _make_sc_gather(qn_total)(table, focal_points.astype(jnp.int32))

    cn_row = cn.reshape(1, n)
    b_row = batchf.reshape(1, n)

    grid = qn_total // Q_TILE
    col = pl.pallas_call(
        _dist_topk_kernel,
        grid=(grid,),
        in_specs=[
            pl.BlockSpec((Q_TILE, D_PAD), lambda i: (i, 0)),
            pl.BlockSpec((n, D_PAD), lambda i: (0, 0)),
            pl.BlockSpec((1, n), lambda i: (0, 0)),
            pl.BlockSpec((1, n), lambda i: (0, 0)),
        ],
        out_specs=pl.BlockSpec((Q_TILE, K), lambda i: (i, 0)),
        out_shape=jax.ShapeDtypeStruct((qn_total, K), jnp.int32),
        scratch_shapes=[pltpu.VMEM((Q_TILE, n), jnp.float32)],
    )(q, table, cn_row, b_row)

    row = jnp.repeat(jnp.arange(qn_total, dtype=jnp.int64), K)
    return (row, col.reshape(-1).astype(jnp.int64))

# --- scband reference (transcript-rebuilt; emitter-appended) ---
"""Pipeline reference for scband-atsearch-knn-61100204753395 (READ-ONLY COPY).

The authoritative reference and input builder live on the scoring server;
editing this copy changes nothing except your own understanding.
"""

import jax, jax.numpy as jnp
import numpy as np

NUM_SEGMENTS = 8
K = 16
ATT_DIM = 32


def positional_encoding(xyz, d_model=ATT_DIM, max_freq=10.0, num_bands=64):
    fb = jnp.linspace(1.0, max_freq, num_bands).reshape(1, 1, -1)
    xf = xyz[..., None] * fb  # [N,3,64]
    enc = jnp.stack([jnp.sin(xf), jnp.cos(xf)], axis=-1)  # [N,3,64,2]
    enc = enc.reshape(xyz.shape[0], -1)  # [N,384]
    return enc[:, :d_model]


def batch_normalize(v, batch, num_segments=NUM_SEGMENTS):
    ones = jnp.ones((v.shape[0],), v.dtype)
    cnt = jax.ops.segment_sum(ones, batch, num_segments)
    s = jax.ops.segment_sum(v, batch, num_segments)
    sq = jax.ops.segment_sum(v * v, batch, num_segments)
    cnt_c = jnp.maximum(cnt, 1.0)[:, None]
    mean = s / cnt_c
    # unbiased std (torch_scatter scatter_std default)
    var = (sq - s * s / cnt_c) / jnp.maximum(cnt_c - 1.0, 1.0)
    std = jnp.sqrt(jnp.clip(var, 0.0, None))
    return (v - mean[batch]) / (std[batch] + 1e-8)


def setup_inputs(seed: int = 0) -> dict:
    key = jax.random.key(seed)
    ks = jax.random.split(key, 12)
    N, XD = 10000, 64
    Q = 2048
    x = jax.random.normal(ks[0], (N, XD), dtype=jnp.float32)
    pos = jax.random.normal(ks[1], (N, 3), dtype=jnp.float32)
    batch = jnp.sort(jax.random.randint(ks[2], (N,), 0, NUM_SEGMENTS)).astype(jnp.int64)
    focal_points = jax.random.randint(ks[3], (Q,), 0, N).astype(jnp.int64)
    feat_dim = XD + ATT_DIM  # 96
    pos_dim = 3 + ATT_DIM    # 35
    fa_w1 = jax.random.normal(ks[4], (feat_dim, ATT_DIM), dtype=jnp.float32) * 0.1
    fa_b1 = jnp.zeros((ATT_DIM,), jnp.float32)
    fa_w2 = jax.random.normal(ks[5], (ATT_DIM, 1), dtype=jnp.float32) * 0.1
    fa_b2 = jnp.zeros((1,), jnp.float32)
    pa_w1 = jax.random.normal(ks[6], (pos_dim, ATT_DIM), dtype=jnp.float32) * 0.1
    pa_b1 = jnp.zeros((ATT_DIM,), jnp.float32)
    pa_w2 = jax.random.normal(ks[7], (ATT_DIM, 1), dtype=jnp.float32) * 0.1
    pa_b2 = jnp.zeros((1,), jnp.float32)
    return {"x": x, "pos": pos, "batch": batch, "focal_points": focal_points,
            "fa_w1": fa_w1, "fa_b1": fa_b1, "fa_w2": fa_w2, "fa_b2": fa_b2,
            "pa_w1": pa_w1, "pa_b1": pa_b1, "pa_w2": pa_w2, "pa_b2": pa_b2}


def reference(x, pos, batch, focal_points, fa_w1, fa_b1, fa_w2, fa_b2, pa_w1, pa_b1, pa_w2, pa_b2):
    enc = positional_encoding(pos[:, :3])
    features_encoded = jnp.concatenate([x, enc], axis=-1)
    pos_encoded = jnp.concatenate([pos[:, :3], enc], axis=-1)
    fw = jax.nn.relu(features_encoded @ fa_w1 + fa_b1) @ fa_w2 + fa_b2  # [N,1]
    pw = jax.nn.relu(pos_encoded @ pa_w1 + pa_b1) @ pa_w2 + pa_b2      # [N,1]
    soft = jax.nn.softmax(jnp.concatenate([fw, pw], axis=-1), axis=-1)
    feature_weight = soft[:, 0:1]
    pos_weight = soft[:, 1:2]
    weighted_features = features_encoded * feature_weight
    weighted_pos = pos_encoded * pos_weight
    combined = jnp.concatenate([weighted_pos, weighted_features], axis=-1)  # [N,131]
    combined_normalized = batch_normalize(combined, batch)
    q = combined_normalized[focal_points]  # [Q,131]
    batch_focal = batch[focal_points]
    # pairwise squared distances (compute-heavy matmul form)
    qn = jnp.sum(q * q, axis=-1, keepdims=True)          # [Q,1]
    cn = jnp.sum(combined_normalized * combined_normalized, axis=-1)  # [N]
    dist2 = qn + cn[None, :] - 2.0 * (q @ combined_normalized.T)      # [Q,N]
    mask = batch_focal[:, None] != batch[None, :]
    dist2 = jnp.where(mask, 1e10, dist2)
    _, idx = jax.lax.top_k(-dist2, K)  # [Q,K]
    Qn = q.shape[0]
    row = jnp.repeat(jnp.arange(Qn, dtype=jnp.int64), K)
    col = idx.reshape(-1).astype(jnp.int64)
    return (row, col)

if __name__ == "__main__":
    import jax
    _d = setup_inputs()
    print(jax.jit(kernel)(*tuple(_d.values())))

</pallas_src>

<mosaic_0001>
#map = affine_map<(d0, d1) -> (0, 0)>
#map1 = affine_map<(d0, d1) -> (0)>
module attributes {stable_mosaic.version = 14 : i64} {
  func.func @gather(%arg0: i32, %arg1: i32, %arg2: memref<10000x256xf32, #tpu.memory_space<hbm>>, %arg3: memref<2048xi32, #tpu.memory_space<hbm>>, %arg4: memref<2048x256xf32, #tpu.memory_space<hbm>>, %arg5: memref<64xi32, #tpu.memory_space<vmem>>, %arg6: memref<64x256xf32, #tpu.memory_space<vmem>>, %arg7: memref<!tpu.dma_semaphore, #tpu.memory_space<semaphore_mem>>) attributes {dimension_semantics = [#tpu.dimension_semantics<core_parallel>, #tpu.dimension_semantics<subcore_parallel>], iteration_bounds = array<i64: 2, 16>, scalar_prefetch = 0 : i64, scratch_operands = 3 : i64, tpu.core_type = #tpu.core_type<sc_vector_subcore>, window_params = [{transform_indices = #map}, {transform_indices = #map1}, {transform_indices = #map}]} {
    %mul3A = arith.constant 2 : i32
    %mul3A_0 = arith.muli %arg1, %mul3A : i32
    %add3A = arith.addi %mul3A_0, %arg0 : i32
    %mul3A_1 = arith.constant 64 : i32
    %mul3A_2 = arith.muli %add3A, %mul3A_1 : i32
    "tpu.region"() ({
      %run_scoped3A = tpu.sem_alloc : memref<!tpu.dma_semaphore, #tpu.memory_space<semaphore_mem>>
      %dma_start3A_7 = tpu.memref_slice %arg3[%mul3A_2] : memref<2048xi32, #tpu.memory_space<hbm>> -> memref<64xi32, #tpu.memory_space<hbm>>
      %dma_start3A_8 = tpu.memref_slice %arg3[%mul3A_2] : memref<2048xi32, #tpu.memory_space<hbm>> -> memref<64xi32, #tpu.memory_space<hbm>>
      tpu.enqueue_dma source(%dma_start3A_8 : memref<64xi32, #tpu.memory_space<hbm>>) target(%arg5 : memref<64xi32, #tpu.memory_space<vmem>>) target_semaphore(%run_scoped3A : memref<!tpu.dma_semaphore, #tpu.memory_space<semaphore_mem>>)
      %dma_wait3A_9 = tpu.memref_slice %arg3[%mul3A_2] : memref<2048xi32, #tpu.memory_space<hbm>> -> memref<64xi32, #tpu.memory_space<hbm>>
      %dma_wait3A_10 = tpu.memref_slice %arg3[%mul3A_2] : memref<2048xi32, #tpu.memory_space<hbm>> -> memref<64xi32, #tpu.memory_space<hbm>>
      tpu.wait_dma2 semaphore(%run_scoped3A : memref<!tpu.dma_semaphore, #tpu.memory_space<semaphore_mem>>) src(%dma_wait3A_10 : memref<64xi32, #tpu.memory_space<hbm>>) dst(%arg5 : memref<64xi32, #tpu.memory_space<vmem>>)
      tpu.yield
    }) : () -> ()
    %dma_start3A = arith.constant 0 : i32
    %dma_start3A_3 = arith.constant 0 : i32
    %dma_start3A_4 = tpu.memref_slice %arg2[%dma_start3A, %dma_start3A_3] : memref<10000x256xf32, #tpu.memory_space<hbm>> -> memref<10000x256xf32, #tpu.memory_space<hbm>>
    tpu.enqueue_indirect_dma source(%dma_start3A_4 : memref<10000x256xf32, #tpu.memory_space<hbm>>) target(%arg6 : memref<64x256xf32, #tpu.memory_space<vmem>>) offsets(%arg5 : memref<64xi32, #tpu.memory_space<vmem>>) semaphore(%arg7 : memref<!tpu.dma_semaphore, #tpu.memory_space<semaphore_mem>>)
    %dma_wait3A = arith.constant 0 : i32
    %dma_wait3A_5 = arith.constant 0 : i32
    %dma_wait3A_6 = tpu.memref_slice %arg2[%dma_wait3A, %dma_wait3A_5] : memref<10000x256xf32, #tpu.memory_space<hbm>> -> memref<10000x256xf32, #tpu.memory_space<hbm>>
    tpu.wait_indirect_dma semaphore(%arg7 : memref<!tpu.dma_semaphore, #tpu.memory_space<semaphore_mem>>) src(%dma_wait3A_6 : memref<10000x256xf32, #tpu.memory_space<hbm>>) dst(%arg6 : memref<64x256xf32, #tpu.memory_space<vmem>>)
    "tpu.region"() ({
      %run_scoped3A = tpu.sem_alloc : memref<!tpu.dma_semaphore, #tpu.memory_space<semaphore_mem>>
      %dma_start3A_7 = arith.constant 0 : i32
      %dma_start3A_8 = tpu.memref_slice %arg4[%mul3A_2, %dma_start3A_7] : memref<2048x256xf32, #tpu.memory_space<hbm>> -> memref<64x256xf32, #tpu.memory_space<hbm>>
      %dma_start3A_9 = arith.constant 0 : i32
      %dma_start3A_10 = tpu.memref_slice %arg4[%mul3A_2, %dma_start3A_9] : memref<2048x256xf32, #tpu.memory_space<hbm>> -> memref<64x256xf32, #tpu.memory_space<hbm>>
      tpu.enqueue_dma source(%arg6 : memref<64x256xf32, #tpu.memory_space<vmem>>) target(%dma_start3A_10 : memref<64x256xf32, #tpu.memory_space<hbm>>) target_semaphore(%run_scoped3A : memref<!tpu.dma_semaphore, #tpu.memory_space<semaphore_mem>>)
      %dma_wait3A_11 = arith.constant 0 : i32
      %dma_wait3A_12 = tpu.memref_slice %arg4[%mul3A_2, %dma_wait3A_11] : memref<2048x256xf32, #tpu.memory_space<hbm>> -> memref<64x256xf32, #tpu.memory_space<hbm>>
      %dma_wait3A_13 = arith.constant 0 : i32
      %dma_wait3A_14 = tpu.memref_slice %arg4[%mul3A_2, %dma_wait3A_13] : memref<2048x256xf32, #tpu.memory_space<hbm>> -> memref<64x256xf32, #tpu.memory_space<hbm>>
      tpu.wait_dma2 semaphore(%run_scoped3A : memref<!tpu.dma_semaphore, #tpu.memory_space<semaphore_mem>>) src(%arg6 : memref<64x256xf32, #tpu.memory_space<vmem>>) dst(%dma_wait3A_14 : memref<64x256xf32, #tpu.memory_space<hbm>>)
      tpu.yield
    }) : () -> ()
    return
  }
}

module attributes {stable_mosaic.version = 14 : i64} {
  func.func @_stage1_kernel(%arg0: i32, %arg1: memref<1000x64xf32, #tpu.memory_space<vmem>>, %arg2: memref<1000x3xf32, #tpu.memory_space<vmem>>, %arg3: memref<1000x1xf32, #tpu.memory_space<vmem>>, %arg4: memref<96x32xf32, #tpu.memory_space<vmem>>, %arg5: memref<1x32xf32, #tpu.memory_space<vmem>>, %arg6: memref<32x1xf32, #tpu.memory_space<vmem>>, %arg7: memref<1x1xf32, #tpu.memory_space<vmem>>, %arg8: memref<35x32xf32, #tpu.memory_space<vmem>>, %arg9: memref<1x32xf32, #tpu.memory_space<vmem>>, %arg10: memref<32x1xf32, #tpu.memory_space<vmem>>, %arg11: memref<1x1xf32, #tpu.memory_space<vmem>>, %arg12: memref<1000x131xf32, #tpu.memory_space<vmem>>, %arg13: memref<8x1xf32, #tpu.memory_space<vmem>>, %arg14: memref<8x131xf32, #tpu.memory_space<vmem>>, %arg15: memref<8x131xf32, #tpu.memory_space<vmem>>) attributes {dimension_semantics = [#tpu.dimension_semantics<arbitrary>], iteration_bounds = array<i64: 10>, scalar_prefetch = 0 : i64, scratch_operands = 0 : i64, tpu.core_type = #tpu.core_type<tc>, window_params = [{transform_indices = @transform_0, window_bounds = array<i64: 1000, 64>}, {transform_indices = @transform_1, window_bounds = array<i64: 1000, 3>}, {transform_indices = @transform_2, window_bounds = array<i64: 1000, 1>}, {pipeline_mode = #tpu.pipeline_mode<synchronous>, transform_indices = @transform_3, window_bounds = array<i64: 96, 32>}, {pipeline_mode = #tpu.pipeline_mode<synchronous>, transform_indices = @transform_4, window_bounds = array<i64: 1, 32>}, {pipeline_mode = #tpu.pipeline_mode<synchronous>, transform_indices = @transform_5, window_bounds = array<i64: 32, 1>}, {pipeline_mode = #tpu.pipeline_mode<synchronous>, transform_indices = @transform_6, window_bounds = array<i64: 1, 1>}, {pipeline_mode = #tpu.pipeline_mode<synchronous>, transform_indices = @transform_7, window_bounds = array<i64: 35, 32>}, {pipeline_mode = #tpu.pipeline_mode<synchronous>, transform_indices = @transform_8, window_bounds = array<i64: 1, 32>}, {pipeline_mode = #tpu.pipeline_mode<synchronous>, transform_indices = @transform_9, window_bounds = array<i64: 32, 1>}, {pipeline_mode = #tpu.pipeline_mode<synchronous>, transform_indices = @transform_10, window_bounds = array<i64: 1, 1>}, {transform_indices = @transform_11, window_bounds = array<i64: 1000, 131>}, {pipeline_mode = #tpu.pipeline_mode<synchronous>, transform_indices = @transform_12, window_bounds = array<i64: 8, 1>}, {pipeline_mode = #tpu.pipeline_mode<synchronous>, transform_indices = @transform_13, window_bounds = array<i64: 8, 131>}, {pipeline_mode = #tpu.pipeline_mode<synchronous>, transform_indices = @transform_14, window_bounds = array<i64: 8, 131>}]} {
    %get3A = arith.constant 0 : index
    %get3A_0 = arith.constant 0 : index
    %get3A_1 = vector.load %arg3[%get3A, %get3A_0] : memref<1000x1xf32, #tpu.memory_space<vmem>>, vector<1000x1xf32>
    %get3A_2 = arith.constant 0 : index
    %get3A_3 = arith.constant 0 : index
    %get3A_4 = vector.load %arg4[%get3A_2, %get3A_3] : memref<96x32xf32, #tpu.memory_space<vmem>>, vector<96x32xf32>
    %get3A_5 = arith.constant 0 : index
    %get3A_6 = arith.constant 0 : index
    %get3A_7 = vector.load %arg5[%get3A_5, %get3A_6] : memref<1x32xf32, #tpu.memory_space<vmem>>, vector<1x32xf32>
    %get3A_8 = arith.constant 0 : index
    %get3A_9 = arith.constant 0 : index
    %get3A_10 = vector.load %arg6[%get3A_8, %get3A_9] : memref<32x1xf32, #tpu.memory_space<vmem>>, vector<32x1xf32>
    %get3A_11 = arith.constant 0 : index
    %get3A_12 = arith.constant 0 : index
    %get3A_13 = vector.load %arg7[%get3A_11, %get3A_12] : memref<1x1xf32, #tpu.memory_space<vmem>>, vector<1x1xf32>
    %get3A_14 = arith.constant 0 : index
    %get3A_15 = arith.constant 0 : index
    %get3A_16 = vector.load %arg8[%get3A_14, %get3A_15] : memref<35x32xf32, #tpu.memory_space<vmem>>, vector<35x32xf32>
    %get3A_17 = arith.constant 0 : index
    %get3A_18 = arith.constant 0 : index
    %get3A_19 = vector.load %arg9[%get3A_17, %get3A_18] : memref<1x32xf32, #tpu.memory_space<vmem>>, vector<1x32xf32>
    %get3A_20 = arith.constant 0 : index
    %get3A_21 = arith.constant 0 : index
    %get3A_22 = vector.load %arg10[%get3A_20, %get3A_21] : memref<32x1xf32, #tpu.memory_space<vmem>>, vector<32x1xf32>
    %get3A_23 = arith.constant 0 : index
    %get3A_24 = arith.constant 0 : index
    %get3A_25 = vector.load %arg11[%get3A_23, %get3A_24] : memref<1x1xf32, #tpu.memory_space<vmem>>, vector<1x1xf32>
    %get3A_26 = arith.constant 0 : index
    %get3A_27 = arith.constant 0 : index
    %get3A_28 = vector.load %arg1[%get3A_26, %get3A_27] : memref<1000x64xf32, #tpu.memory_space<vmem>>, vector<1000x64xf32>
    %get3A_29 = arith.constant 0 : index
    %get3A_30 = arith.constant 0 : index
    %get3A_31 = vector.load %arg2[%get3A_29, %get3A_30] : memref<1000x3xf32, #tpu.memory_space<vmem>>, vector<1000x3xf32>
    %iota3A = tpu.iota {dimensions = array<i32: 1>} : vector<1x32xi32>
    %jit3A = arith.constant 2 : i32
    %div3A = vector.broadcast %jit3A : i32 to vector<1x32xi32>
    %div3A_32 = arith.divsi %iota3A, %div3A : vector<1x32xi32>
    %sign3A = arith.constant 0 : i32
    %sign3A_33 = vector.broadcast %sign3A : i32 to vector<1x32xi32>
    %sign3A_34 = arith.cmpi sgt, %iota3A, %sign3A_33 : vector<1x32xi32>
    %sign3A_35 = arith.extui %sign3A_34 : vector<1x32xi1> to vector<1x32xi32>
    %sign3A_36 = arith.constant 0 : i32
    %sign3A_37 = vector.broadcast %sign3A_36 : i32 to vector<1x32xi32>
    %sign3A_38 = arith.cmpi slt, %iota3A, %sign3A_37 : vector<1x32xi32>
    %sign3A_39 = arith.extui %sign3A_38 : vector<1x32xi1> to vector<1x32xi32>
    %sign3A_40 = arith.subi %sign3A_35, %sign3A_39 : vector<1x32xi32>
    %sign3A_41 = arith.constant 0 : i32
    %sign3A_42 = arith.cmpi sgt, %jit3A, %sign3A_41 : i32
    %sign3A_43 = arith.extui %sign3A_42 : i1 to i32
    %sign3A_44 = arith.constant 0 : i32
    %sign3A_45 = arith.cmpi slt, %jit3A, %sign3A_44 : i32
    %sign3A_46 = arith.extui %sign3A_45 : i1 to i32
    %sign3A_47 = arith.subi %sign3A_43, %sign3A_46 : i32
    %ne3A = vector.broadcast %sign3A_47 : i32 to vector<1x32xi32>
    %ne3A_48 = arith.cmpi ne, %sign3A_40, %ne3A : vector<1x32xi32>
    %rem3A = vector.broadcast %jit3A : i32 to vector<1x32xi32>
    %rem3A_49 = arith.remsi %iota3A, %rem3A : vector<1x32xi32>
    %ne3A_50 = arith.constant 0 : i32
    %ne3A_51 = vector.broadcast %ne3A_50 : i32 to vector<1x32xi32>
    %ne3A_52 = arith.cmpi ne, %rem3A_49, %ne3A_51 : vector<1x32xi32>
    %and3A = arith.andi %ne3A_48, %ne3A_52 : vector<1x32xi1>
    %sub3A = arith.constant 1 : i32
    %sub3A_53 = vector.broadcast %sub3A : i32 to vector<1x32xi32>
    %sub3A_54 = arith.subi %div3A_32, %sub3A_53 : vector<1x32xi32>
    %select_n3A = arith.select %and3A, %sub3A_54, %div3A_32 : vector<1x32xi1>, vector<1x32xi32>
    %convert_element_type3A = arith.sitofp %select_n3A : vector<1x32xi32> to vector<1x32xf32>
    %mul3A = arith.constant 0.142857149 : f32
    %mul3A_55 = vector.broadcast %mul3A : f32 to vector<1x32xf32>
    %mul3A_56 = arith.mulf %convert_element_type3A, %mul3A_55 : vector<1x32xf32>
    %add3A = arith.constant 1.000000e+00 : f32
    %add3A_57 = vector.broadcast %add3A : f32 to vector<1x32xf32>
    %add3A_58 = arith.addf %add3A_57, %mul3A_56 : vector<1x32xf32>
    %jit3A_59 = arith.constant 2 : i32
    %eq3A = arith.constant 0 : i32
    %eq3A_60 = arith.cmpi eq, %jit3A_59, %eq3A : i32
    %jit3A_61 = arith.constant 1 : i32
    %select_n3A_62 = arith.select %eq3A_60, %jit3A_61, %jit3A_59 : i32
    %rem3A_63 = vector.broadcast %select_n3A_62 : i32 to vector<1x32xi32>
    %rem3A_64 = arith.remsi %iota3A, %rem3A_63 : vector<1x32xi32>
    %ne3A_65 = arith.constant 0 : i32
    %ne3A_66 = vector.broadcast %ne3A_65 : i32 to vector<1x32xi32>
    %ne3A_67 = arith.cmpi ne, %rem3A_64, %ne3A_66 : vector<1x32xi32>
    %lt3A = arith.constant 0 : i32
    %lt3A_68 = vector.broadcast %lt3A : i32 to vector<1x32xi32>
    %lt3A_69 = arith.cmpi slt, %rem3A_64, %lt3A_68 : vector<1x32xi32>
    %lt3A_70 = arith.constant 0 : i32
    %lt3A_71 = arith.cmpi slt, %select_n3A_62, %lt3A_70 : i32
    %ne3A_72 = vector.broadcast %lt3A_71 : i1 to vector<1x32xi1>
    %ne3A_73 = vector.broadcast %ne3A_72 : vector<1x32xi1> to vector<1x32xi1>
    %ne3A_74 = arith.xori %lt3A_69, %ne3A_73 : vector<1x32xi1>
    %and3A_75 = arith.andi %ne3A_74, %ne3A_67 : vector<1x32xi1>
    %add3A_76 = vector.broadcast %select_n3A_62 : i32 to vector<1x32xi32>
    %add3A_77 = arith.addi %rem3A_64, %add3A_76 : vector<1x32xi32>
    %select_n3A_78 = arith.select %and3A_75, %add3A_77, %rem3A_64 : vector<1x32xi1>, vector<1x32xi32>
    %slice3A = vector.extract_strided_slice %get3A_31 {offsets = [0, 0], sizes = [1000, 1], strides = [1, 1]} : vector<1000x3xf32> to vector<1000x1xf32>
    %mul3A_79 = vector.broadcast %slice3A : vector<1000x1xf32> to vector<1000x32xf32>
    %mul3A_80 = vector.broadcast %add3A_58 : vector<1x32xf32> to vector<1000x32xf32>
    %mul3A_81 = arith.mulf %mul3A_79, %mul3A_80 : vector<1000x32xf32>
    %eq3A_82 = arith.constant 0 : i32
    %eq3A_83 = vector.broadcast %eq3A_82 : i32 to vector<1x32xi32>
    %eq3A_84 = arith.cmpi eq, %select_n3A_78, %eq3A_83 : vector<1x32xi32>
    %sin3A = math.sin %mul3A_81 : vector<1000x32xf32>
    %cos3A = math.cos %mul3A_81 : vector<1000x32xf32>
    %broadcast_in_dim3A = vector.shape_cast %eq3A_84 : vector<1x32xi1> to vector<1x32xi1>
    %broadcast_in_dim3A_85 = vector.broadcast %broadcast_in_dim3A : vector<1x32xi1> to vector<1000x32xi1>
    %select_n3A_86 = arith.select %broadcast_in_dim3A_85, %sin3A, %cos3A : vector<1000x32xi1>, vector<1000x32xf32>
    %concatenate3A = tpu.concatenate %get3A_28, %select_n3A_86 in 1 : vector<1000x64xf32>, vector<1000x32xf32> -> vector<1000x96xf32>
    %concatenate3A_87 = tpu.concatenate %get3A_31, %select_n3A_86 in 1 : vector<1000x3xf32>, vector<1000x32xf32> -> vector<1000x35xf32>
    %dot_general3A = arith.constant dense<0.000000e+00> : vector<1000x32xf32>
    %dot_general3A_88 = tpu.matmul %concatenate3A, %get3A_4, %dot_general3A {dimension_numbers = #tpu.dot_dimension_numbers<[1], [0], [0], [1], [0, 0, 1, 1], [], []>, transpose_lhs_hint = false} : vector<1000x96xf32>, vector<96x32xf32>, vector<1000x32xf32> -> vector<1000x32xf32>
    %add3A_89 = vector.broadcast %get3A_7 : vector<1x32xf32> to vector<1000x32xf32>
    %add3A_90 = arith.addf %dot_general3A_88, %add3A_89 : vector<1000x32xf32>
    %max3A = arith.constant 0.000000e+00 : f32
    %max3A_91 = vector.broadcast %max3A : f32 to vector<1000x32xf32>
    %max3A_92 = arith.maximumf %add3A_90, %max3A_91 : vector<1000x32xf32>
    %dot_general3A_93 = arith.constant dense<0.000000e+00> : vector<1000x1xf32>
    %dot_general3A_94 = tpu.matmul %max3A_92, %get3A_10, %dot_general3A_93 {dimension_numbers = #tpu.dot_dimension_numbers<[1], [0], [0], [1], [0, 0, 1, 1], [], []>, transpose_lhs_hint = false} : vector<1000x32xf32>, vector<32x1xf32>, vector<1000x1xf32> -> vector<1000x1xf32>
    %add3A_95 = vector.broadcast %get3A_13 : vector<1x1xf32> to vector<1000x1xf32>
    %add3A_96 = arith.addf %dot_general3A_94, %add3A_95 : vector<1000x1xf32>
    %dot_general3A_97 = arith.constant dense<0.000000e+00> : vector<1000x32xf32>
    %dot_general3A_98 = tpu.matmul %concatenate3A_87, %get3A_16, %dot_general3A_97 {dimension_numbers = #tpu.dot_dimension_numbers<[1], [0], [0], [1], [0, 0, 1, 1], [], []>, transpose_lhs_hint = false} : vector<1000x35xf32>, vector<35x32xf32>, vector<1000x32xf32> -> vector<1000x32xf32>
    %add3A_99 = vector.broadcast %get3A_19 : vector<1x32xf32> to vector<1000x32xf32>
    %add3A_100 = arith.addf %dot_general3A_98, %add3A_99 : vector<1000x32xf32>
    %max3A_101 = arith.constant 0.000000e+00 : f32
    %max3A_102 = vector.broadcast %max3A_101 : f32 to vector<1000x32xf32>
    %max3A_103 = arith.maximumf %add3A_100, %max3A_102 : vector<1000x32xf32>
    %dot_general3A_104 = arith.constant dense<0.000000e+00> : vector<1000x1xf32>
    %dot_general3A_105 = tpu.matmul %max3A_103, %get3A_22, %dot_general3A_104 {dimension_numbers = #tpu.dot_dimension_numbers<[1], [0], [0], [1], [0, 0, 1, 1], [], []>, transpose_lhs_hint = false} : vector<1000x32xf32>, vector<32x1xf32>, vector<1000x1xf32> -> vector<1000x1xf32>
    %add3A_106 = vector.broadcast %get3A_25 : vector<1x1xf32> to vector<1000x1xf32>
    %add3A_107 = arith.addf %dot_general3A_105, %add3A_106 : vector<1000x1xf32>
    %max3A_108 = arith.maximumf %add3A_96, %add3A_107 : vector<1000x1xf32>
    %sub3A_109 = arith.subf %add3A_96, %max3A_108 : vector<1000x1xf32>
    %exp3A = math.exp %sub3A_109 : vector<1000x1xf32>
    %sub3A_110 = arith.subf %add3A_107, %max3A_108 : vector<1000x1xf32>
    %exp3A_111 = math.exp %sub3A_110 : vector<1000x1xf32>
    %add3A_112 = arith.addf %exp3A, %exp3A_111 : vector<1000x1xf32>
    %div3A_113 = arith.divf %exp3A_111, %add3A_112 : vector<1000x1xf32>
    %mul3A_114 = vector.broadcast %div3A_113 : vector<1000x1xf32> to vector<1000x35xf32>
    %mul3A_115 = arith.mulf %concatenate3A_87, %mul3A_114 : vector<1000x35xf32>
    %div3A_116 = arith.divf %exp3A, %add3A_112 : vector<1000x1xf32>
    %mul3A_117 = vector.broadcast %div3A_116 : vector<1000x1xf32> to vector<1000x96xf32>
    %mul3A_118 = arith.mulf %concatenate3A, %mul3A_117 : vector<1000x96xf32>
    %concatenate3A_119 = tpu.concatenate %mul3A_115, %mul3A_118 in 1 : vector<1000x35xf32>, vector<1000x96xf32> -> vector<1000x131xf32>
    %swap3A = arith.constant 0 : index
    %swap3A_120 = arith.constant 0 : index
    %swap3A_121 = vector.load %arg12[%swap3A, %swap3A_120] : memref<1000x131xf32, #tpu.memory_space<vmem>>, vector<1000x131xf32>
    tpu.vector_store %arg12[%swap3A, %swap3A_120], %concatenate3A_119 {strides = array<i32>} : memref<1000x131xf32, #tpu.memory_space<vmem>>, vector<1000x131xf32>,
    %eq3A_122 = arith.constant 0 : i32
    %eq3A_123 = arith.cmpi eq, %arg0, %eq3A_122 : i32
    %convert_element_type3A_124 = arith.extui %eq3A_123 : i1 to i32
    %cond3A = arith.constant 0 : i32
    %cond3A_125 = arith.cmpi ne, %convert_element_type3A_124, %cond3A : i32
    scf.if %cond3A_125 {
      %broadcast_in_dim3A_356 = arith.constant 0.000000e+00 : f32
      %broadcast_in_dim3A_357 = vector.broadcast %broadcast_in_dim3A_356 : f32 to vector<8x1xf32>
      %swap3A_358 = arith.constant 0 : index
      %swap3A_359 = arith.constant 0 : index
      %swap3A_360 = vector.load %arg13[%swap3A_358, %swap3A_359] : memref<8x1xf32, #tpu.memory_space<vmem>>, vector<8x1xf32>
      tpu.vector_store %arg13[%swap3A_358, %swap3A_359], %broadcast_in_dim3A_357 {strides = array<i32>} : memref<8x1xf32, #tpu.memory_space<vmem>>, vector<8x1xf32>,
      %broadcast_in_dim3A_361 = arith.constant 0.000000e+00 : f32
      %broadcast_in_dim3A_362 = vector.broadcast %broadcast_in_dim3A_361 : f32 to vector<8x131xf32>
      %swap3A_363 = arith.constant 0 : index
      %swap3A_364 = arith.constant 0 : index
      %swap3A_365 = vector.load %arg14[%swap3A_363, %swap3A_364] : memref<8x131xf32, #tpu.memory_space<vmem>>, vector<8x131xf32>
      tpu.vector_store %arg14[%swap3A_363, %swap3A_364], %broadcast_in_dim3A_362 {strides = array<i32>} : memref<8x131xf32, #tpu.memory_space<vmem>>, vector<8x131xf32>,
      %broadcast_in_dim3A_366 = arith.constant 0.000000e+00 : f32
      %broadcast_in_dim3A_367 = vector.broadcast %broadcast_in_dim3A_366 : f32 to vector<8x131xf32>
      %swap3A_368 = arith.constant 0 : index
      %swap3A_369 = arith.constant 0 : index
      %swap3A_370 = vector.load %arg15[%swap3A_368, %swap3A_369] : memref<8x131xf32, #tpu.memory_space<vmem>>, vector<8x131xf32>
      tpu.vector_store %arg15[%swap3A_368, %swap3A_369], %broadcast_in_dim3A_367 {strides = array<i32>} : memref<8x131xf32, #tpu.memory_space<vmem>>, vector<8x131xf32>,
    } else {
    }
    %eq3A_126 = arith.constant 0.000000e+00 : f32
    %eq3A_127 = vector.broadcast %eq3A_126 : f32 to vector<1000x1xf32>
    %eq3A_128 = arith.cmpf oeq, %get3A_1, %eq3A_127 : vector<1000x1xf32>
    %jit3A_129 = arith.constant 0.000000e+00 : f32
    %broadcast_in_dim3A_130 = vector.shape_cast %eq3A_128 : vector<1000x1xi1> to vector<1000x1xi1>
    %broadcast_in_dim3A_131 = vector.broadcast %broadcast_in_dim3A_130 : vector<1000x1xi1> to vector<1000x131xi1>
    %broadcast_in_dim3A_132 = vector.broadcast %jit3A_129 : f32 to vector<1000x131xf32>
    %select_n3A_133 = arith.select %broadcast_in_dim3A_131, %concatenate3A_119, %broadcast_in_dim3A_132 : vector<1000x131xi1>, vector<1000x131xf32>
    %jit3A_134 = arith.constant 1.000000e+00 : f32
    %jit3A_135 = arith.constant 0.000000e+00 : f32
    %broadcast_in_dim3A_136 = vector.broadcast %jit3A_134 : f32 to vector<1000x1xf32>
    %broadcast_in_dim3A_137 = vector.broadcast %jit3A_135 : f32 to vector<1000x1xf32>
    %select_n3A_138 = arith.select %eq3A_128, %broadcast_in_dim3A_136, %broadcast_in_dim3A_137 : vector<1000x1xi1>, vector<1000x1xf32>
    %reduce_sum3A = vector.shape_cast %select_n3A_138 : vector<1000x1xf32> to vector<1x1000x1xf32>
    %reduce_sum3A_139 = arith.constant dense<0.000000e+00> : vector<1xf32>
    %reduce_sum3A_140 = vector.multi_reduction <add>, %reduce_sum3A, %reduce_sum3A_139 [1, 2] : vector<1x1000x1xf32> to vector<1xf32>
    %reduce_sum3A_141 = vector.shape_cast %reduce_sum3A_140 : vector<1xf32> to vector<1x1x1xf32>
    %reduce_sum3A_142 = vector.extract %reduce_sum3A_141[0, 0, 0] : f32 from vector<1x1x1xf32>
    %reshape3A = vector.broadcast %reduce_sum3A_142 : f32 to vector<1x1xf32>
    %reduce_sum3A_143 = arith.constant dense<0.000000e+00> : vector<131xf32>
    %reduce_sum3A_144 = vector.multi_reduction <add>, %select_n3A_133, %reduce_sum3A_143 [0] : vector<1000x131xf32> to vector<131xf32>
    %broadcast_in_dim3A_145 = vector.shape_cast %reduce_sum3A_144 : vector<131xf32> to vector<1x131xf32>
    %mul3A_146 = arith.mulf %select_n3A_133, %select_n3A_133 : vector<1000x131xf32>
    %reduce_sum3A_147 = arith.constant dense<0.000000e+00> : vector<131xf32>
    %reduce_sum3A_148 = vector.multi_reduction <add>, %mul3A_146, %reduce_sum3A_147 [0] : vector<1000x131xf32> to vector<131xf32>
    %broadcast_in_dim3A_149 = vector.shape_cast %reduce_sum3A_148 : vector<131xf32> to vector<1x131xf32>
    %eq3A_150 = arith.constant 1.000000e+00 : f32
    %eq3A_151 = vector.broadcast %eq3A_150 : f32 to vector<1000x1xf32>
    %eq3A_152 = arith.cmpf oeq, %get3A_1, %eq3A_151 : vector<1000x1xf32>
    %jit3A_153 = arith.constant 0.000000e+00 : f32
    %broadcast_in_dim3A_154 = vector.shape_cast %eq3A_152 : vector<1000x1xi1> to vector<1000x1xi1>
    %broadcast_in_dim3A_155 = vector.broadcast %broadcast_in_dim3A_154 : vector<1000x1xi1> to vector<1000x131xi1>
    %broadcast_in_dim3A_156 = vector.broadcast %jit3A_153 : f32 to vector<1000x131xf32>
    %select_n3A_157 = arith.select %broadcast_in_dim3A_155, %concatenate3A_119, %broadcast_in_dim3A_156 : vector<1000x131xi1>, vector<1000x131xf32>
    %jit3A_158 = arith.constant 1.000000e+00 : f32
    %jit3A_159 = arith.constant 0.000000e+00 : f32
    %broadcast_in_dim3A_160 = vector.broadcast %jit3A_158 : f32 to vector<1000x1xf32>
    %broadcast_in_dim3A_161 = vector.broadcast %jit3A_159 : f32 to vector<1000x1xf32>
    %select_n3A_162 = arith.select %eq3A_152, %broadcast_in_dim3A_160, %broadcast_in_dim3A_161 : vector<1000x1xi1>, vector<1000x1xf32>
    %reduce_sum3A_163 = vector.shape_cast %select_n3A_162 : vector<1000x1xf32> to vector<1x1000x1xf32>
    %reduce_sum3A_164 = arith.constant dense<0.000000e+00> : vector<1xf32>
    %reduce_sum3A_165 = vector.multi_reduction <add>, %reduce_sum3A_163, %reduce_sum3A_164 [1, 2] : vector<1x1000x1xf32> to vector<1xf32>
    %reduce_sum3A_166 = vector.shape_cast %reduce_sum3A_165 : vector<1xf32> to vector<1x1x1xf32>
    %reduce_sum3A_167 = vector.extract %reduce_sum3A_166[0, 0, 0] : f32 from vector<1x1x1xf32>
    %reshape3A_168 = vector.broadcast %reduce_sum3A_167 : f32 to vector<1x1xf32>
    %reduce_sum3A_169 = arith.constant dense<0.000000e+00> : vector<131xf32>
    %reduce_sum3A_170 = vector.multi_reduction <add>, %select_n3A_157, %reduce_sum3A_169 [0] : vector<1000x131xf32> to vector<131xf32>
    %broadcast_in_dim3A_171 = vector.shape_cast %reduce_sum3A_170 : vector<131xf32> to vector<1x131xf32>
    %mul3A_172 = arith.mulf %select_n3A_157, %select_n3A_157 : vector<1000x131xf32>
    %reduce_sum3A_173 = arith.constant dense<0.000000e+00> : vector<131xf32>
    %reduce_sum3A_174 = vector.multi_reduction <add>, %mul3A_172, %reduce_sum3A_173 [0] : vector<1000x131xf32> to vector<131xf32>
    %broadcast_in_dim3A_175 = vector.shape_cast %reduce_sum3A_174 : vector<131xf32> to vector<1x131xf32>
    %eq3A_176 = arith.constant 2.000000e+00 : f32
    %eq3A_177 = vector.broadcast %eq3A_176 : f32 to vector<1000x1xf32>
    %eq3A_178 = arith.cmpf oeq, %get3A_1, %eq3A_177 : vector<1000x1xf32>
    %jit3A_179 = arith.constant 0.000000e+00 : f32
    %broadcast_in_dim3A_180 = vector.shape_cast %eq3A_178 : vector<1000x1xi1> to vector<1000x1xi1>
    %broadcast_in_dim3A_181 = vector.broadcast %broadcast_in_dim3A_180 : vector<1000x1xi1> to vector<1000x131xi1>
    %broadcast_in_dim3A_182 = vector.broadcast %jit3A_179 : f32 to vector<1000x131xf32>
    %select_n3A_183 = arith.select %broadcast_in_dim3A_181, %concatenate3A_119, %broadcast_in_dim3A_182 : vector<1000x131xi1>, vector<1000x131xf32>
    %jit3A_184 = arith.constant 1.000000e+00 : f32
    %jit3A_185 = arith.constant 0.000000e+00 : f32
    %broadcast_in_dim3A_186 = vector.broadcast %jit3A_184 : f32 to vector<1000x1xf32>
    %broadcast_in_dim3A_187 = vector.broadcast %jit3A_185 : f32 to vector<1000x1xf32>
    %select_n3A_188 = arith.select %eq3A_178, %broadcast_in_dim3A_186, %broadcast_in_dim3A_187 : vector<1000x1xi1>, vector<1000x1xf32>
    %reduce_sum3A_189 = vector.shape_cast %select_n3A_188 : vector<1000x1xf32> to vector<1x1000x1xf32>
    %reduce_sum3A_190 = arith.constant dense<0.000000e+00> : vector<1xf32>
    %reduce_sum3A_191 = vector.multi_reduction <add>, %reduce_sum3A_189, %reduce_sum3A_190 [1, 2] : vector<1x1000x1xf32> to vector<1xf32>
    %reduce_sum3A_192 = vector.shape_cast %reduce_sum3A_191 : vector<1xf32> to vector<1x1x1xf32>
    %reduce_sum3A_193 = vector.extract %reduce_sum3A_192[0, 0, 0] : f32 from vector<1x1x1xf32>
    %reshape3A_194 = vector.broadcast %reduce_sum3A_193 : f32 to vector<1x1xf32>
    %reduce_sum3A_195 = arith.constant dense<0.000000e+00> : vector<131xf32>
    %reduce_sum3A_196 = vector.multi_reduction <add>, %select_n3A_183, %reduce_sum3A_195 [0] : vector<1000x131xf32> to vector<131xf32>
    %broadcast_in_dim3A_197 = vector.shape_cast %reduce_sum3A_196 : vector<131xf32> to vector<1x131xf32>
    %mul3A_198 = arith.mulf %select_n3A_183, %select_n3A_183 : vector<1000x131xf32>
    %reduce_sum3A_199 = arith.constant dense<0.000000e+00> : vector<131xf32>
    %reduce_sum3A_200 = vector.multi_reduction <add>, %mul3A_198, %reduce_sum3A_199 [0] : vector<1000x131xf32> to vector<131xf32>
    %broadcast_in_dim3A_201 = vector.shape_cast %reduce_sum3A_200 : vector<131xf32> to vector<1x131xf32>
    %eq3A_202 = arith.constant 3.000000e+00 : f32
    %eq3A_203 = vector.broadcast %eq3A_202 : f32 to vector<1000x1xf32>
    %eq3A_204 = arith.cmpf oeq, %get3A_1, %eq3A_203 : vector<1000x1xf32>
    %jit3A_205 = arith.constant 0.000000e+00 : f32
    %broadcast_in_dim3A_206 = vector.shape_cast %eq3A_204 : vector<1000x1xi1> to vector<1000x1xi1>
    %broadcast_in_dim3A_207 = vector.broadcast %broadcast_in_dim3A_206 : vector<1000x1xi1> to vector<1000x131xi1>
    %broadcast_in_dim3A_208 = vector.broadcast %jit3A_205 : f32 to vector<1000x131xf32>
    %select_n3A_209 = arith.select %broadcast_in_dim3A_207, %concatenate3A_119, %broadcast_in_dim3A_208 : vector<1000x131xi1>, vector<1000x131xf32>
    %jit3A_210 = arith.constant 1.000000e+00 : f32
    %jit3A_211 = arith.constant 0.000000e+00 : f32
    %broadcast_in_dim3A_212 = vector.broadcast %jit3A_210 : f32 to vector<1000x1xf32>
    %broadcast_in_dim3A_213 = vector.broadcast %jit3A_211 : f32 to vector<1000x1xf32>
    %select_n3A_214 = arith.select %eq3A_204, %broadcast_in_dim3A_212, %broadcast_in_dim3A_213 : vector<1000x1xi1>, vector<1000x1xf32>
    %reduce_sum3A_215 = vector.shape_cast %select_n3A_214 : vector<1000x1xf32> to vector<1x1000x1xf32>
    %reduce_sum3A_216 = arith.constant dense<0.000000e+00> : vector<1xf32>
    %reduce_sum3A_217 = vector.multi_reduction <add>, %reduce_sum3A_215, %reduce_sum3A_216 [1, 2] : vector<1x1000x1xf32> to vector<1xf32>
    %reduce_sum3A_218 = vector.shape_cast %reduce_sum3A_217 : vector<1xf32> to vector<1x1x1xf32>
    %reduce_sum3A_219 = vector.extract %reduce_sum3A_218[0, 0, 0] : f32 from vector<1x1x1xf32>
    %reshape3A_220 = vector.broadcast %reduce_sum3A_219 : f32 to vector<1x1xf32>
    %reduce_sum3A_221 = arith.constant dense<0.000000e+00> : vector<131xf32>
    %reduce_sum3A_222 = vector.multi_reduction <add>, %select_n3A_209, %reduce_sum3A_221 [0] : vector<1000x131xf32> to vector<131xf32>
    %broadcast_in_dim3A_223 = vector.shape_cast %reduce_sum3A_222 : vector<131xf32> to vector<1x131xf32>
    %mul3A_224 = arith.mulf %select_n3A_209, %select_n3A_209 : vector<1000x131xf32>
    %reduce_sum3A_225 = arith.constant dense<0.000000e+00> : vector<131xf32>
    %reduce_sum3A_226 = vector.multi_reduction <add>, %mul3A_224, %reduce_sum3A_225 [0] : vector<1000x131xf32> to vector<131xf32>
    %broadcast_in_dim3A_227 = vector.shape_cast %reduce_sum3A_226 : vector<131xf32> to vector<1x131xf32>
    %eq3A_228 = arith.constant 4.000000e+00 : f32
    %eq3A_229 = vector.broadcast %eq3A_228 : f32 to vector<1000x1xf32>
    %eq3A_230 = arith.cmpf oeq, %get3A_1, %eq3A_229 : vector<1000x1xf32>
    %jit3A_231 = arith.constant 0.000000e+00 : f32
    %broadcast_in_dim3A_232 = vector.shape_cast %eq3A_230 : vector<1000x1xi1> to vector<1000x1xi1>
    %broadcast_in_dim3A_233 = vector.broadcast %broadcast_in_dim3A_232 : vector<1000x1xi1> to vector<1000x131xi1>
    %broadcast_in_dim3A_234 = vector.broadcast %jit3A_231 : f32 to vector<1000x131xf32>
    %select_n3A_235 = arith.select %broadcast_in_dim3A_233, %concatenate3A_119, %broadcast_in_dim3A_234 : vector<1000x131xi1>, vector<1000x131xf32>
    %jit3A_236 = arith.constant 1.000000e+00 : f32
    %jit3A_237 = arith.constant 0.000000e+00 : f32
    %broadcast_in_dim3A_238 = vector.broadcast %jit3A_236 : f32 to vector<1000x1xf32>
    %broadcast_in_dim3A_239 = vector.broadcast %jit3A_237 : f32 to vector<1000x1xf32>
    %select_n3A_240 = arith.select %eq3A_230, %broadcast_in_dim3A_238, %broadcast_in_dim3A_239 : vector<1000x1xi1>, vector<1000x1xf32>
    %reduce_sum3A_241 = vector.shape_cast %select_n3A_240 : vector<1000x1xf32> to vector<1x1000x1xf32>
    %reduce_sum3A_242 = arith.constant dense<0.000000e+00> : vector<1xf32>
    %reduce_sum3A_243 = vector.multi_reduction <add>, %reduce_sum3A_241, %reduce_sum3A_242 [1, 2] : vector<1x1000x1xf32> to vector<1xf32>
    %reduce_sum3A_244 = vector.shape_cast %reduce_sum3A_243 : vector<1xf32> to vector<1x1x1xf32>
    %reduce_sum3A_245 = vector.extract %reduce_sum3A_244[0, 0, 0] : f32 from vector<1x1x1xf32>
    %reshape3A_246 = vector.broadcast %reduce_sum3A_245 : f32 to vector<1x1xf32>
    %reduce_sum3A_247 = arith.constant dense<0.000000e+00> : vector<131xf32>
    %reduce_sum3A_248 = vector.multi_reduction <add>, %select_n3A_235, %reduce_sum3A_247 [0] : vector<1000x131xf32> to vector<131xf32>
    %broadcast_in_dim3A_249 = vector.shape_cast %reduce_sum3A_248 : vector<131xf32> to vector<1x131xf32>
    %mul3A_250 = arith.mulf %select_n3A_235, %select_n3A_235 : vector<1000x131xf32>
    %reduce_sum3A_251 = arith.constant dense<0.000000e+00> : vector<131xf32>
    %reduce_sum3A_252 = vector.multi_reduction <add>, %mul3A_250, %reduce_sum3A_251 [0] : vector<1000x131xf32> to vector<131xf32>
    %broadcast_in_dim3A_253 = vector.shape_cast %reduce_sum3A_252 : vector<131xf32> to vector<1x131xf32>
    %eq3A_254 = arith.constant 5.000000e+00 : f32
    %eq3A_255 = vector.broadcast %eq3A_254 : f32 to vector<1000x1xf32>
    %eq3A_256 = arith.cmpf oeq, %get3A_1, %eq3A_255 : vector<1000x1xf32>
    %jit3A_257 = arith.constant 0.000000e+00 : f32
    %broadcast_in_dim3A_258 = vector.shape_cast %eq3A_256 : vector<1000x1xi1> to vector<1000x1xi1>
    %broadcast_in_dim3A_259 = vector.broadcast %broadcast_in_dim3A_258 : vector<1000x1xi1> to vector<1000x131xi1>
    %broadcast_in_dim3A_260 = vector.broadcast %jit3A_257 : f32 to vector<1000x131xf32>
    %select_n3A_261 = arith.select %broadcast_in_dim3A_259, %concatenate3A_119, %broadcast_in_dim3A_260 : vector<1000x131xi1>, vector<1000x131xf32>
    %jit3A_262 = arith.constant 1.000000e+00 : f32
    %jit3A_263 = arith.constant 0.000000e+00 : f32
    %broadcast_in_dim3A_264 = vector.broadcast %jit3A_262 : f32 to vector<1000x1xf32>
    %broadcast_in_dim3A_265 = vector.broadcast %jit3A_263 : f32 to vector<1000x1xf32>
    %select_n3A_266 = arith.select %eq3A_256, %broadcast_in_dim3A_264, %broadcast_in_dim3A_265 : vector<1000x1xi1>, vector<1000x1xf32>
    %reduce_sum3A_267 = vector.shape_cast %select_n3A_266 : vector<1000x1xf32> to vector<1x1000x1xf32>
    %reduce_sum3A_268 = arith.constant dense<0.000000e+00> : vector<1xf32>
    %reduce_sum3A_269 = vector.multi_reduction <add>, %reduce_sum3A_267, %reduce_sum3A_268 [1, 2] : vector<1x1000x1xf32> to vector<1xf32>
    %reduce_sum3A_270 = vector.shape_cast %reduce_sum3A_269 : vector<1xf32> to vector<1x1x1xf32>
    %reduce_sum3A_271 = vector.extract %reduce_sum3A_270[0, 0, 0] : f32 from vector<1x1x1xf32>
    %reshape3A_272 = vector.broadcast %reduce_sum3A_271 : f32 to vector<1x1xf32>
    %reduce_sum3A_273 = arith.constant dense<0.000000e+00> : vector<131xf32>
    %reduce_sum3A_274 = vector.multi_reduction <add>, %select_n3A_261, %reduce_sum3A_273 [0] : vector<1000x131xf32> to vector<131xf32>
    %broadcast_in_dim3A_275 = vector.shape_cast %reduce_sum3A_274 : vector<131xf32> to vector<1x131xf32>
    %mul3A_276 = arith.mulf %select_n3A_261, %select_n3A_261 : vector<1000x131xf32>
    %reduce_sum3A_277 = arith.constant dense<0.000000e+00> : vector<131xf32>
    %reduce_sum3A_278 = vector.multi_reduction <add>, %mul3A_276, %reduce_sum3A_277 [0] : vector<1000x131xf32> to vector<131xf32>
    %broadcast_in_dim3A_279 = vector.shape_cast %reduce_sum3A_278 : vector<131xf32> to vector<1x131xf32>
    %eq3A_280 = arith.constant 6.000000e+00 : f32
    %eq3A_281 = vector.broadcast %eq3A_280 : f32 to vector<1000x1xf32>
    %eq3A_282 = arith.cmpf oeq, %get3A_1, %eq3A_281 : vector<1000x1xf32>
    %jit3A_283 = arith.constant 0.000000e+00 : f32
    %broadcast_in_dim3A_284 = vector.shape_cast %eq3A_282 : vector<1000x1xi1> to vector<1000x1xi1>
    %broadcast_in_dim3A_285 = vector.broadcast %broadcast_in_dim3A_284 : vector<1000x1xi1> to vector<1000x131xi1>
    %broadcast_in_dim3A_286 = vector.broadcast %jit3A_283 : f32 to vector<1000x131xf32>
    %select_n3A_287 = arith.select %broadcast_in_dim3A_285, %concatenate3A_119, %broadcast_in_dim3A_286 : vector<1000x131xi1>, vector<1000x131xf32>
    %jit3A_288 = arith.constant 1.000000e+00 : f32
    %jit3A_289 = arith.constant 0.000000e+00 : f32
    %broadcast_in_dim3A_290 = vector.broadcast %jit3A_288 : f32 to vector<1000x1xf32>
    %broadcast_in_dim3A_291 = vector.broadcast %jit3A_289 : f32 to vector<1000x1xf32>
    %select_n3A_292 = arith.select %eq3A_282, %broadcast_in_dim3A_290, %broadcast_in_dim3A_291 : vector<1000x1xi1>, vector<1000x1xf32>
    %reduce_sum3A_293 = vector.shape_cast %select_n3A_292 : vector<1000x1xf32> to vector<1x1000x1xf32>
    %reduce_sum3A_294 = arith.constant dense<0.000000e+00> : vector<1xf32>
    %reduce_sum3A_295 = vector.multi_reduction <add>, %reduce_sum3A_293, %reduce_sum3A_294 [1, 2] : vector<1x1000x1xf32> to vector<1xf32>
    %reduce_sum3A_296 = vector.shape_cast %reduce_sum3A_295 : vector<1xf32> to vector<1x1x1xf32>
    %reduce_sum3A_297 = vector.extract %reduce_sum3A_296[0, 0, 0] : f32 from vector<1x1x1xf32>
    %reshape3A_298 = vector.broadcast %reduce_sum3A_297 : f32 to vector<1x1xf32>
    %reduce_sum3A_299 = arith.constant dense<0.000000e+00> : vector<131xf32>
    %reduce_sum3A_300 = vector.multi_reduction <add>, %select_n3A_287, %reduce_sum3A_299 [0] : vector<1000x131xf32> to vector<131xf32>
    %broadcast_in_dim3A_301 = vector.shape_cast %reduce_sum3A_300 : vector<131xf32> to vector<1x131xf32>
    %mul3A_302 = arith.mulf %select_n3A_287, %select_n3A_287 : vector<1000x131xf32>
    %reduce_sum3A_303 = arith.constant dense<0.000000e+00> : vector<131xf32>
    %reduce_sum3A_304 = vector.multi_reduction <add>, %mul3A_302, %reduce_sum3A_303 [0] : vector<1000x131xf32> to vector<131xf32>
    %broadcast_in_dim3A_305 = vector.shape_cast %reduce_sum3A_304 : vector<131xf32> to vector<1x131xf32>
    %eq3A_306 = arith.constant 7.000000e+00 : f32
    %eq3A_307 = vector.broadcast %eq3A_306 : f32 to vector<1000x1xf32>
    %eq3A_308 = arith.cmpf oeq, %get3A_1, %eq3A_307 : vector<1000x1xf32>
    %jit3A_309 = arith.constant 0.000000e+00 : f32
    %broadcast_in_dim3A_310 = vector.shape_cast %eq3A_308 : vector<1000x1xi1> to vector<1000x1xi1>
    %broadcast_in_dim3A_311 = vector.broadcast %broadcast_in_dim3A_310 : vector<1000x1xi1> to vector<1000x131xi1>
    %broadcast_in_dim3A_312 = vector.broadcast %jit3A_309 : f32 to vector<1000x131xf32>
    %select_n3A_313 = arith.select %broadcast_in_dim3A_311, %concatenate3A_119, %broadcast_in_dim3A_312 : vector<1000x131xi1>, vector<1000x131xf32>
    %jit3A_314 = arith.constant 1.000000e+00 : f32
    %jit3A_315 = arith.constant 0.000000e+00 : f32
    %broadcast_in_dim3A_316 = vector.broadcast %jit3A_314 : f32 to vector<1000x1xf32>
    %broadcast_in_dim3A_317 = vector.broadcast %jit3A_315 : f32 to vector<1000x1xf32>
    %select_n3A_318 = arith.select %eq3A_308, %broadcast_in_dim3A_316, %broadcast_in_dim3A_317 : vector<1000x1xi1>, vector<1000x1xf32>
    %reduce_sum3A_319 = vector.shape_cast %select_n3A_318 : vector<1000x1xf32> to vector<1x1000x1xf32>
    %reduce_sum3A_320 = arith.constant dense<0.000000e+00> : vector<1xf32>
    %reduce_sum3A_321 = vector.multi_reduction <add>, %reduce_sum3A_319, %reduce_sum3A_320 [1, 2] : vector<1x1000x1xf32> to vector<1xf32>
    %reduce_sum3A_322 = vector.shape_cast %reduce_sum3A_321 : vector<1xf32> to vector<1x1x1xf32>
    %reduce_sum3A_323 = vector.extract %reduce_sum3A_322[0, 0, 0] : f32 from vector<1x1x1xf32>
    %reshape3A_324 = vector.broadcast %reduce_sum3A_323 : f32 to vector<1x1xf32>
    %reduce_sum3A_325 = arith.constant dense<0.000000e+00> : vector<131xf32>
    %reduce_sum3A_326 = vector.multi_reduction <add>, %select_n3A_313, %reduce_sum3A_325 [0] : vector<1000x131xf32> to vector<131xf32>
    %broadcast_in_dim3A_327 = vector.shape_cast %reduce_sum3A_326 : vector<131xf32> to vector<1x131xf32>
    %mul3A_328 = arith.mulf %select_n3A_313, %select_n3A_313 : vector<1000x131xf32>
    %reduce_sum3A_329 = arith.constant dense<0.000000e+00> : vector<131xf32>
    %reduce_sum3A_330 = vector.multi_reduction <add>, %mul3A_328, %reduce_sum3A_329 [0] : vector<1000x131xf32> to vector<131xf32>
    %broadcast_in_dim3A_331 = vector.shape_cast %reduce_sum3A_330 : vector<131xf32> to vector<1x131xf32>
    %get3A_332 = arith.constant 0 : index
    %get3A_333 = arith.constant 0 : index
    %get3A_334 = vector.load %arg13[%get3A_332, %get3A_333] : memref<8x1xf32, #tpu.memory_space<vmem>>, vector<8x1xf32>
    %concatenate3A_335 = tpu.concatenate %reshape3A, %reshape3A_168, %reshape3A_194, %reshape3A_220, %reshape3A_246, %reshape3A_272, %reshape3A_298, %reshape3A_324 in 0 : vector<1x1xf32>, vector<1x1xf32>, vector<1x1xf32>, vector<1x1xf32>, vector<1x1xf32>, vector<1x1xf32>, vector<1x1xf32>, vector<1x1xf32> -> vector<8x1xf32>
    %add3A_336 = arith.addf %get3A_334, %concatenate3A_335 : vector<8x1xf32>
    %swap3A_337 = arith.constant 0 : index
    %swap3A_338 = arith.constant 0 : index
    %swap3A_339 = vector.load %arg13[%swap3A_337, %swap3A_338] : memref<8x1xf32, #tpu.memory_space<vmem>>, vector<8x1xf32>
    tpu.vector_store %arg13[%swap3A_337, %swap3A_338], %add3A_336 {strides = array<i32>} : memref<8x1xf32, #tpu.memory_space<vmem>>, vector<8x1xf32>,
    %get3A_340 = arith.constant 0 : index
    %get3A_341 = arith.constant 0 : index
    %get3A_342 = vector.load %arg14[%get3A_340, %get3A_341] : memref<8x131xf32, #tpu.memory_space<vmem>>, vector<8x131xf32>
    %concatenate3A_343 = tpu.concatenate %broadcast_in_dim3A_145, %broadcast_in_dim3A_171, %broadcast_in_dim3A_197, %broadcast_in_dim3A_223, %broadcast_in_dim3A_249, %broadcast_in_dim3A_275, %broadcast_in_dim3A_301, %broadcast_in_dim3A_327 in 0 : vector<1x131xf32>, vector<1x131xf32>, vector<1x131xf32>, vector<1x131xf32>, vector<1x131xf32>, vector<1x131xf32>, vector<1x131xf32>, vector<1x131xf32> -> vector<8x131xf32>
    %add3A_344 = arith.addf %get3A_342, %concatenate3A_343 : vector<8x131xf32>
    %swap3A_345 = arith.constant 0 : index
    %swap3A_346 = arith.constant 0 : index
    %swap3A_347 = vector.load %arg14[%swap3A_345, %swap3A_346] : memref<8x131xf32, #tpu.memory_space<vmem>>, vector<8x131xf32>
    tpu.vector_store %arg14[%swap3A_345, %swap3A_346], %add3A_344 {strides = array<i32>} : memref<8x131xf32, #tpu.memory_space<vmem>>, vector<8x131xf32>,
    %get3A_348 = arith.constant 0 : index
    %get3A_349 = arith.constant 0 : index
    %get3A_350 = vector.load %arg15[%get3A_348, %get3A_349] : memref<8x131xf32, #tpu.memory_space<vmem>>, vector<8x131xf32>
    %concatenate3A_351 = tpu.concatenate %broadcast_in_dim3A_149, %broadcast_in_dim3A_175, %broadcast_in_dim3A_201, %broadcast_in_dim3A_227, %broadcast_in_dim3A_253, %broadcast_in_dim3A_279, %broadcast_in_dim3A_305, %broadcast_in_dim3A_331 in 0 : vector<1x131xf32>, vector<1x131xf32>, vector<1x131xf32>, vector<1x131xf32>, vector<1x131xf32>, vector<1x131xf32>, vector<1x131xf32>, vector<1x131xf32> -> vector<8x131xf32>
    %add3A_352 = arith.addf %get3A_350, %concatenate3A_351 : vector<8x131xf32>
    %swap3A_353 = arith.constant 0 : index
    %swap3A_354 = arith.constant 0 : index
    %swap3A_355 = vector.load %arg15[%swap3A_353, %swap3A_354] : memref<8x131xf32, #tpu.memory_space<vmem>>, vector<8x131xf32>
    tpu.vector_store %arg15[%swap3A_353, %swap3A_354], %add3A_352 {strides = array<i32>} : memref<8x131xf32, #tpu.memory_space<vmem>>, vector<8x131xf32>,
    return
  }
  func.func @transform_0(%arg0: i32) -> (i32, i32) {
    %c0_i32 = arith.constant 0 : i32
    %c0_i32_0 = arith.constant 0 : i32
    return %arg0, %c0_i32 : i32, i32
  }
  func.func @transform_1(%arg0: i32) -> (i32, i32) {
    %c0_i32 = arith.constant 0 : i32
    %c0_i32_0 = arith.constant 0 : i32
    return %arg0, %c0_i32 : i32, i32
  }
  func.func @transform_2(%arg0: i32) -> (i32, i32) {
    %c0_i32 = arith.constant 0 : i32
    %c0_i32_0 = arith.constant 0 : i32
    return %arg0, %c0_i32 : i32, i32
  }
  func.func @transform_3(%arg0: i32) -> (i32, i32) {
    %c0_i32 = arith.constant 0 : i32
    %c0_i32_0 = arith.constant 0 : i32
    %c0_i32_1 = arith.constant 0 : i32
    return %c0_i32, %c0_i32_0 : i32, i32
  }
  func.func @transform_4(%arg0: i32) -> (i32, i32) {
    %c0_i32 = arith.constant 0 : i32
    %c0_i32_0 = arith.constant 0 : i32
    %c0_i32_1 = arith.constant 0 : i32
    return %c0_i32, %c0_i32_0 : i32, i32
  }
  func.func @transform_5(%arg0: i32) -> (i32, i32) {
    %c0_i32 = arith.constant 0 : i32
    %c0_i32_0 = arith.constant 0 : i32
    %c0_i32_1 = arith.constant 0 : i32
    return %c0_i32, %c0_i32_0 : i32, i32
  }
  func.func @transform_6(%arg0: i32) -> (i32, i32) {
    %c0_i32 = arith.constant 0 : i32
    %c0_i32_0 = arith.constant 0 : i32
    %c0_i32_1 = arith.constant 0 : i32
    return %c0_i32, %c0_i32_0 : i32, i32
  }
  func.func @transform_7(%arg0: i32) -> (i32, i32) {
    %c0_i32 = arith.constant 0 : i32
    %c0_i32_0 = arith.constant 0 : i32
    %c0_i32_1 = arith.constant 0 : i32
    return %c0_i32, %c0_i32_0 : i32, i32
  }
  func.func @transform_8(%arg0: i32) -> (i32, i32) {
    %c0_i32 = arith.constant 0 : i32
    %c0_i32_0 = arith.constant 0 : i32
    %c0_i32_1 = arith.constant 0 : i32
    return %c0_i32, %c0_i32_0 : i32, i32
  }
  func.func @transform_9(%arg0: i32) -> (i32, i32) {
    %c0_i32 = arith.constant 0 : i32
    %c0_i32_0 = arith.constant 0 : i32
    %c0_i32_1 = arith.constant 0 : i32
    return %c0_i32, %c0_i32_0 : i32, i32
  }
  func.func @transform_10(%arg0: i32) -> (i32, i32) {
    %c0_i32 = arith.constant 0 : i32
    %c0_i32_0 = arith.constant 0 : i32
    %c0_i32_1 = arith.constant 0 : i32
    return %c0_i32, %c0_i32_0 : i32, i32
  }
  func.func @transform_11(%arg0: i32) -> (i32, i32) {
    %c0_i32 = arith.constant 0 : i32
    %c0_i32_0 = arith.constant 0 : i32
    return %arg0, %c0_i32 : i32, i32
  }
  func.func @transform_12(%arg0: i32) -> (i32, i32) {
    %c0_i32 = arith.constant 0 : i32
    %c0_i32_0 = arith.constant 0 : i32
    %c0_i32_1 = arith.constant 0 : i32
    return %c0_i32, %c0_i32_0 : i32, i32
  }
  func.func @transform_13(%arg0: i32) -> (i32, i32) {
    %c0_i32 = arith.constant 0 : i32
    %c0_i32_0 = arith.constant 0 : i32
    %c0_i32_1 = arith.constant 0 : i32
    return %c0_i32, %c0_i32_0 : i32, i32
  }
  func.func @transform_14(%arg0: i32) -> (i32, i32) {
    %c0_i32 = arith.constant 0 : i32
    %c0_i32_0 = arith.constant 0 : i32
    %c0_i32_1 = arith.constant 0 : i32
    return %c0_i32, %c0_i32_0 : i32, i32
  }
}

module attributes {stable_mosaic.version = 14 : i64} {
  func.func @_stage2_kernel(%arg0: i32, %arg1: memref<1000x131xf32, #tpu.memory_space<vmem>>, %arg2: memref<1000x1xf32, #tpu.memory_space<vmem>>, %arg3: memref<8x1xf32, #tpu.memory_space<vmem>>, %arg4: memref<8x131xf32, #tpu.memory_space<vmem>>, %arg5: memref<8x131xf32, #tpu.memory_space<vmem>>, %arg6: memref<1000x256xf32, #tpu.memory_space<vmem>>, %arg7: memref<1000x1xf32, #tpu.memory_space<vmem>>) attributes {dimension_semantics = [#tpu.dimension_semantics<arbitrary>], iteration_bounds = array<i64: 10>, scalar_prefetch = 0 : i64, scratch_operands = 0 : i64, tpu.core_type = #tpu.core_type<tc>, window_params = [{transform_indices = @transform_0, window_bounds = array<i64: 1000, 131>}, {transform_indices = @transform_1, window_bounds = array<i64: 1000, 1>}, {pipeline_mode = #tpu.pipeline_mode<synchronous>, transform_indices = @transform_2, window_bounds = array<i64: 8, 1>}, {pipeline_mode = #tpu.pipeline_mode<synchronous>, transform_indices = @transform_3, window_bounds = array<i64: 8, 131>}, {pipeline_mode = #tpu.pipeline_mode<synchronous>, transform_indices = @transform_4, window_bounds = array<i64: 8, 131>}, {transform_indices = @transform_5, window_bounds = array<i64: 1000, 256>}, {transform_indices = @transform_6, window_bounds = array<i64: 1000, 1>}]} {
    %get3A = arith.constant 0 : index
    %get3A_0 = arith.constant 0 : index
    %get3A_1 = vector.load %arg1[%get3A, %get3A_0] : memref<1000x131xf32, #tpu.memory_space<vmem>>, vector<1000x131xf32>
    %get3A_2 = arith.constant 0 : index
    %get3A_3 = arith.constant 0 : index
    %get3A_4 = vector.load %arg2[%get3A_2, %get3A_3] : memref<1000x1xf32, #tpu.memory_space<vmem>>, vector<1000x1xf32>
    %broadcast_in_dim3A = arith.constant 0.000000e+00 : f32
    %broadcast_in_dim3A_5 = vector.broadcast %broadcast_in_dim3A : f32 to vector<1000x131xf32>
    %broadcast_in_dim3A_6 = arith.constant 0.000000e+00 : f32
    %broadcast_in_dim3A_7 = vector.broadcast %broadcast_in_dim3A_6 : f32 to vector<1000x131xf32>
    %get3A_8 = arith.constant 0 : index
    %get3A_9 = arith.constant 0 : index
    %get3A_10 = vector.load %arg3[%get3A_8, %get3A_9] : memref<8x1xf32, #tpu.memory_space<vmem>>, vector<1x1xf32>
    %get3A_11 = vector.extract %get3A_10[0, 0] : f32 from vector<1x1xf32>
    %get3A_12 = arith.constant 0 : index
    %get3A_13 = arith.constant 0 : index
    %get3A_14 = vector.load %arg4[%get3A_12, %get3A_13] : memref<8x131xf32, #tpu.memory_space<vmem>>, vector<1x131xf32>
    %get3A_15 = arith.constant 0 : index
    %get3A_16 = arith.constant 0 : index
    %get3A_17 = vector.load %arg5[%get3A_15, %get3A_16] : memref<8x131xf32, #tpu.memory_space<vmem>>, vector<1x131xf32>
    %max3A = arith.constant 1.000000e+00 : f32
    %max3A_18 = arith.maximumf %get3A_11, %max3A : f32
    %div3A = vector.broadcast %max3A_18 : f32 to vector<1x131xf32>
    %div3A_19 = arith.divf %get3A_14, %div3A : vector<1x131xf32>
    %mul3A = arith.mulf %get3A_14, %get3A_14 : vector<1x131xf32>
    %div3A_20 = vector.broadcast %max3A_18 : f32 to vector<1x131xf32>
    %div3A_21 = arith.divf %mul3A, %div3A_20 : vector<1x131xf32>
    %sub3A = arith.subf %get3A_17, %div3A_21 : vector<1x131xf32>
    %sub3A_22 = arith.constant 1.000000e+00 : f32
    %sub3A_23 = arith.subf %max3A_18, %sub3A_22 : f32
    %max3A_24 = arith.constant 1.000000e+00 : f32
    %max3A_25 = arith.maximumf %sub3A_23, %max3A_24 : f32
    %div3A_26 = vector.broadcast %max3A_25 : f32 to vector<1x131xf32>
    %div3A_27 = arith.divf %sub3A, %div3A_26 : vector<1x131xf32>
    %jit3A = arith.constant 0.000000e+00 : f32
    %max3A_28 = vector.broadcast %jit3A : f32 to vector<1x131xf32>
    %max3A_29 = arith.maximumf %max3A_28, %div3A_27 : vector<1x131xf32>
    %sqrt3A = math.sqrt %max3A_29 : vector<1x131xf32>
    %eq3A = arith.constant 0.000000e+00 : f32
    %eq3A_30 = vector.broadcast %eq3A : f32 to vector<1000x1xf32>
    %eq3A_31 = arith.cmpf oeq, %get3A_4, %eq3A_30 : vector<1000x1xf32>
    %broadcast_in_dim3A_32 = vector.shape_cast %eq3A_31 : vector<1000x1xi1> to vector<1000x1xi1>
    %broadcast_in_dim3A_33 = vector.broadcast %broadcast_in_dim3A_32 : vector<1000x1xi1> to vector<1000x131xi1>
    %broadcast_in_dim3A_34 = vector.shape_cast %div3A_19 : vector<1x131xf32> to vector<1x131xf32>
    %broadcast_in_dim3A_35 = vector.broadcast %broadcast_in_dim3A_34 : vector<1x131xf32> to vector<1000x131xf32>
    %select_n3A = arith.select %broadcast_in_dim3A_33, %broadcast_in_dim3A_35, %broadcast_in_dim3A_5 : vector<1000x131xi1>, vector<1000x131xf32>
    %broadcast_in_dim3A_36 = vector.shape_cast %eq3A_31 : vector<1000x1xi1> to vector<1000x1xi1>
    %broadcast_in_dim3A_37 = vector.broadcast %broadcast_in_dim3A_36 : vector<1000x1xi1> to vector<1000x131xi1>
    %broadcast_in_dim3A_38 = vector.shape_cast %sqrt3A : vector<1x131xf32> to vector<1x131xf32>
    %broadcast_in_dim3A_39 = vector.broadcast %broadcast_in_dim3A_38 : vector<1x131xf32> to vector<1000x131xf32>
    %select_n3A_40 = arith.select %broadcast_in_dim3A_37, %broadcast_in_dim3A_39, %broadcast_in_dim3A_7 : vector<1000x131xi1>, vector<1000x131xf32>
    %get3A_41 = arith.constant 1 : index
    %get3A_42 = arith.constant 0 : index
    %get3A_43 = vector.load %arg3[%get3A_41, %get3A_42] : memref<8x1xf32, #tpu.memory_space<vmem>>, vector<1x1xf32>
    %get3A_44 = vector.extract %get3A_43[0, 0] : f32 from vector<1x1xf32>
    %get3A_45 = arith.constant 1 : index
    %get3A_46 = arith.constant 0 : index
    %get3A_47 = vector.load %arg4[%get3A_45, %get3A_46] : memref<8x131xf32, #tpu.memory_space<vmem>>, vector<1x131xf32>
    %get3A_48 = arith.constant 1 : index
    %get3A_49 = arith.constant 0 : index
    %get3A_50 = vector.load %arg5[%get3A_48, %get3A_49] : memref<8x131xf32, #tpu.memory_space<vmem>>, vector<1x131xf32>
    %max3A_51 = arith.constant 1.000000e+00 : f32
    %max3A_52 = arith.maximumf %get3A_44, %max3A_51 : f32
    %div3A_53 = vector.broadcast %max3A_52 : f32 to vector<1x131xf32>
    %div3A_54 = arith.divf %get3A_47, %div3A_53 : vector<1x131xf32>
    %mul3A_55 = arith.mulf %get3A_47, %get3A_47 : vector<1x131xf32>
    %div3A_56 = vector.broadcast %max3A_52 : f32 to vector<1x131xf32>
    %div3A_57 = arith.divf %mul3A_55, %div3A_56 : vector<1x131xf32>
    %sub3A_58 = arith.subf %get3A_50, %div3A_57 : vector<1x131xf32>
    %sub3A_59 = arith.constant 1.000000e+00 : f32
    %sub3A_60 = arith.subf %max3A_52, %sub3A_59 : f32
    %max3A_61 = arith.constant 1.000000e+00 : f32
    %max3A_62 = arith.maximumf %sub3A_60, %max3A_61 : f32
    %div3A_63 = vector.broadcast %max3A_62 : f32 to vector<1x131xf32>
    %div3A_64 = arith.divf %sub3A_58, %div3A_63 : vector<1x131xf32>
    %jit3A_65 = arith.constant 0.000000e+00 : f32
    %max3A_66 = vector.broadcast %jit3A_65 : f32 to vector<1x131xf32>
    %max3A_67 = arith.maximumf %max3A_66, %div3A_64 : vector<1x131xf32>
    %sqrt3A_68 = math.sqrt %max3A_67 : vector<1x131xf32>
    %eq3A_69 = arith.constant 1.000000e+00 : f32
    %eq3A_70 = vector.broadcast %eq3A_69 : f32 to vector<1000x1xf32>
    %eq3A_71 = arith.cmpf oeq, %get3A_4, %eq3A_70 : vector<1000x1xf32>
    %broadcast_in_dim3A_72 = vector.shape_cast %eq3A_71 : vector<1000x1xi1> to vector<1000x1xi1>
    %broadcast_in_dim3A_73 = vector.broadcast %broadcast_in_dim3A_72 : vector<1000x1xi1> to vector<1000x131xi1>
    %broadcast_in_dim3A_74 = vector.shape_cast %div3A_54 : vector<1x131xf32> to vector<1x131xf32>
    %broadcast_in_dim3A_75 = vector.broadcast %broadcast_in_dim3A_74 : vector<1x131xf32> to vector<1000x131xf32>
    %select_n3A_76 = arith.select %broadcast_in_dim3A_73, %broadcast_in_dim3A_75, %select_n3A : vector<1000x131xi1>, vector<1000x131xf32>
    %broadcast_in_dim3A_77 = vector.shape_cast %eq3A_71 : vector<1000x1xi1> to vector<1000x1xi1>
    %broadcast_in_dim3A_78 = vector.broadcast %broadcast_in_dim3A_77 : vector<1000x1xi1> to vector<1000x131xi1>
    %broadcast_in_dim3A_79 = vector.shape_cast %sqrt3A_68 : vector<1x131xf32> to vector<1x131xf32>
    %broadcast_in_dim3A_80 = vector.broadcast %broadcast_in_dim3A_79 : vector<1x131xf32> to vector<1000x131xf32>
    %select_n3A_81 = arith.select %broadcast_in_dim3A_78, %broadcast_in_dim3A_80, %select_n3A_40 : vector<1000x131xi1>, vector<1000x131xf32>
    %get3A_82 = arith.constant 2 : index
    %get3A_83 = arith.constant 0 : index
    %get3A_84 = vector.load %arg3[%get3A_82, %get3A_83] : memref<8x1xf32, #tpu.memory_space<vmem>>, vector<1x1xf32>
    %get3A_85 = vector.extract %get3A_84[0, 0] : f32 from vector<1x1xf32>
    %get3A_86 = arith.constant 2 : index
    %get3A_87 = arith.constant 0 : index
    %get3A_88 = vector.load %arg4[%get3A_86, %get3A_87] : memref<8x131xf32, #tpu.memory_space<vmem>>, vector<1x131xf32>
    %get3A_89 = arith.constant 2 : index
    %get3A_90 = arith.constant 0 : index
    %get3A_91 = vector.load %arg5[%get3A_89, %get3A_90] : memref<8x131xf32, #tpu.memory_space<vmem>>, vector<1x131xf32>
    %max3A_92 = arith.constant 1.000000e+00 : f32
    %max3A_93 = arith.maximumf %get3A_85, %max3A_92 : f32
    %div3A_94 = vector.broadcast %max3A_93 : f32 to vector<1x131xf32>
    %div3A_95 = arith.divf %get3A_88, %div3A_94 : vector<1x131xf32>
    %mul3A_96 = arith.mulf %get3A_88, %get3A_88 : vector<1x131xf32>
    %div3A_97 = vector.broadcast %max3A_93 : f32 to vector<1x131xf32>
    %div3A_98 = arith.divf %mul3A_96, %div3A_97 : vector<1x131xf32>
    %sub3A_99 = arith.subf %get3A_91, %div3A_98 : vector<1x131xf32>
    %sub3A_100 = arith.constant 1.000000e+00 : f32
    %sub3A_101 = arith.subf %max3A_93, %sub3A_100 : f32
    %max3A_102 = arith.constant 1.000000e+00 : f32
    %max3A_103 = arith.maximumf %sub3A_101, %max3A_102 : f32
    %div3A_104 = vector.broadcast %max3A_103 : f32 to vector<1x131xf32>
    %div3A_105 = arith.divf %sub3A_99, %div3A_104 : vector<1x131xf32>
    %jit3A_106 = arith.constant 0.000000e+00 : f32
    %max3A_107 = vector.broadcast %jit3A_106 : f32 to vector<1x131xf32>
    %max3A_108 = arith.maximumf %max3A_107, %div3A_105 : vector<1x131xf32>
    %sqrt3A_109 = math.sqrt %max3A_108 : vector<1x131xf32>
    %eq3A_110 = arith.constant 2.000000e+00 : f32
    %eq3A_111 = vector.broadcast %eq3A_110 : f32 to vector<1000x1xf32>
    %eq3A_112 = arith.cmpf oeq, %get3A_4, %eq3A_111 : vector<1000x1xf32>
    %broadcast_in_dim3A_113 = vector.shape_cast %eq3A_112 : vector<1000x1xi1> to vector<1000x1xi1>
    %broadcast_in_dim3A_114 = vector.broadcast %broadcast_in_dim3A_113 : vector<1000x1xi1> to vector<1000x131xi1>
    %broadcast_in_dim3A_115 = vector.shape_cast %div3A_95 : vector<1x131xf32> to vector<1x131xf32>
    %broadcast_in_dim3A_116 = vector.broadcast %broadcast_in_dim3A_115 : vector<1x131xf32> to vector<1000x131xf32>
    %select_n3A_117 = arith.select %broadcast_in_dim3A_114, %broadcast_in_dim3A_116, %select_n3A_76 : vector<1000x131xi1>, vector<1000x131xf32>
    %broadcast_in_dim3A_118 = vector.shape_cast %eq3A_112 : vector<1000x1xi1> to vector<1000x1xi1>
    %broadcast_in_dim3A_119 = vector.broadcast %broadcast_in_dim3A_118 : vector<1000x1xi1> to vector<1000x131xi1>
    %broadcast_in_dim3A_120 = vector.shape_cast %sqrt3A_109 : vector<1x131xf32> to vector<1x131xf32>
    %broadcast_in_dim3A_121 = vector.broadcast %broadcast_in_dim3A_120 : vector<1x131xf32> to vector<1000x131xf32>
    %select_n3A_122 = arith.select %broadcast_in_dim3A_119, %broadcast_in_dim3A_121, %select_n3A_81 : vector<1000x131xi1>, vector<1000x131xf32>
    %get3A_123 = arith.constant 3 : index
    %get3A_124 = arith.constant 0 : index
    %get3A_125 = vector.load %arg3[%get3A_123, %get3A_124] : memref<8x1xf32, #tpu.memory_space<vmem>>, vector<1x1xf32>
    %get3A_126 = vector.extract %get3A_125[0, 0] : f32 from vector<1x1xf32>
    %get3A_127 = arith.constant 3 : index
    %get3A_128 = arith.constant 0 : index
    %get3A_129 = vector.load %arg4[%get3A_127, %get3A_128] : memref<8x131xf32, #tpu.memory_space<vmem>>, vector<1x131xf32>
    %get3A_130 = arith.constant 3 : index
    %get3A_131 = arith.constant 0 : index
    %get3A_132 = vector.load %arg5[%get3A_130, %get3A_131] : memref<8x131xf32, #tpu.memory_space<vmem>>, vector<1x131xf32>
    %max3A_133 = arith.constant 1.000000e+00 : f32
    %max3A_134 = arith.maximumf %get3A_126, %max3A_133 : f32
    %div3A_135 = vector.broadcast %max3A_134 : f32 to vector<1x131xf32>
    %div3A_136 = arith.divf %get3A_129, %div3A_135 : vector<1x131xf32>
    %mul3A_137 = arith.mulf %get3A_129, %get3A_129 : vector<1x131xf32>
    %div3A_138 = vector.broadcast %max3A_134 : f32 to vector<1x131xf32>
    %div3A_139 = arith.divf %mul3A_137, %div3A_138 : vector<1x131xf32>
    %sub3A_140 = arith.subf %get3A_132, %div3A_139 : vector<1x131xf32>
    %sub3A_141 = arith.constant 1.000000e+00 : f32
    %sub3A_142 = arith.subf %max3A_134, %sub3A_141 : f32
    %max3A_143 = arith.constant 1.000000e+00 : f32
    %max3A_144 = arith.maximumf %sub3A_142, %max3A_143 : f32
    %div3A_145 = vector.broadcast %max3A_144 : f32 to vector<1x131xf32>
    %div3A_146 = arith.divf %sub3A_140, %div3A_145 : vector<1x131xf32>
    %jit3A_147 = arith.constant 0.000000e+00 : f32
    %max3A_148 = vector.broadcast %jit3A_147 : f32 to vector<1x131xf32>
    %max3A_149 = arith.maximumf %max3A_148, %div3A_146 : vector<1x131xf32>
    %sqrt3A_150 = math.sqrt %max3A_149 : vector<1x131xf32>
    %eq3A_151 = arith.constant 3.000000e+00 : f32
    %eq3A_152 = vector.broadcast %eq3A_151 : f32 to vector<1000x1xf32>
    %eq3A_153 = arith.cmpf oeq, %get3A_4, %eq3A_152 : vector<1000x1xf32>
    %broadcast_in_dim3A_154 = vector.shape_cast %eq3A_153 : vector<1000x1xi1> to vector<1000x1xi1>
    %broadcast_in_dim3A_155 = vector.broadcast %broadcast_in_dim3A_154 : vector<1000x1xi1> to vector<1000x131xi1>
    %broadcast_in_dim3A_156 = vector.shape_cast %div3A_136 : vector<1x131xf32> to vector<1x131xf32>
    %broadcast_in_dim3A_157 = vector.broadcast %broadcast_in_dim3A_156 : vector<1x131xf32> to vector<1000x131xf32>
    %select_n3A_158 = arith.select %broadcast_in_dim3A_155, %broadcast_in_dim3A_157, %select_n3A_117 : vector<1000x131xi1>, vector<1000x131xf32>
    %broadcast_in_dim3A_159 = vector.shape_cast %eq3A_153 : vector<1000x1xi1> to vector<1000x1xi1>
    %broadcast_in_dim3A_160 = vector.broadcast %broadcast_in_dim3A_159 : vector<1000x1xi1> to vector<1000x131xi1>
    %broadcast_in_dim3A_161 = vector.shape_cast %sqrt3A_150 : vector<1x131xf32> to vector<1x131xf32>
    %broadcast_in_dim3A_162 = vector.broadcast %broadcast_in_dim3A_161 : vector<1x131xf32> to vector<1000x131xf32>
    %select_n3A_163 = arith.select %broadcast_in_dim3A_160, %broadcast_in_dim3A_162, %select_n3A_122 : vector<1000x131xi1>, vector<1000x131xf32>
    %get3A_164 = arith.constant 4 : index
    %get3A_165 = arith.constant 0 : index
    %get3A_166 = vector.load %arg3[%get3A_164, %get3A_165] : memref<8x1xf32, #tpu.memory_space<vmem>>, vector<1x1xf32>
    %get3A_167 = vector.extract %get3A_166[0, 0] : f32 from vector<1x1xf32>
    %get3A_168 = arith.constant 4 : index
    %get3A_169 = arith.constant 0 : index
    %get3A_170 = vector.load %arg4[%get3A_168, %get3A_169] : memref<8x131xf32, #tpu.memory_space<vmem>>, vector<1x131xf32>
    %get3A_171 = arith.constant 4 : index
    %get3A_172 = arith.constant 0 : index
    %get3A_173 = vector.load %arg5[%get3A_171, %get3A_172] : memref<8x131xf32, #tpu.memory_space<vmem>>, vector<1x131xf32>
    %max3A_174 = arith.constant 1.000000e+00 : f32
    %max3A_175 = arith.maximumf %get3A_167, %max3A_174 : f32
    %div3A_176 = vector.broadcast %max3A_175 : f32 to vector<1x131xf32>
    %div3A_177 = arith.divf %get3A_170, %div3A_176 : vector<1x131xf32>
    %mul3A_178 = arith.mulf %get3A_170, %get3A_170 : vector<1x131xf32>
    %div3A_179 = vector.broadcast %max3A_175 : f32 to vector<1x131xf32>
    %div3A_180 = arith.divf %mul3A_178, %div3A_179 : vector<1x131xf32>
    %sub3A_181 = arith.subf %get3A_173, %div3A_180 : vector<1x131xf32>
    %sub3A_182 = arith.constant 1.000000e+00 : f32
    %sub3A_183 = arith.subf %max3A_175, %sub3A_182 : f32
    %max3A_184 = arith.constant 1.000000e+00 : f32
    %max3A_185 = arith.maximumf %sub3A_183, %max3A_184 : f32
    %div3A_186 = vector.broadcast %max3A_185 : f32 to vector<1x131xf32>
    %div3A_187 = arith.divf %sub3A_181, %div3A_186 : vector<1x131xf32>
    %jit3A_188 = arith.constant 0.000000e+00 : f32
    %max3A_189 = vector.broadcast %jit3A_188 : f32 to vector<1x131xf32>
    %max3A_190 = arith.maximumf %max3A_189, %div3A_187 : vector<1x131xf32>
    %sqrt3A_191 = math.sqrt %max3A_190 : vector<1x131xf32>
    %eq3A_192 = arith.constant 4.000000e+00 : f32
    %eq3A_193 = vector.broadcast %eq3A_192 : f32 to vector<1000x1xf32>
    %eq3A_194 = arith.cmpf oeq, %get3A_4, %eq3A_193 : vector<1000x1xf32>
    %broadcast_in_dim3A_195 = vector.shape_cast %eq3A_194 : vector<1000x1xi1> to vector<1000x1xi1>
    %broadcast_in_dim3A_196 = vector.broadcast %broadcast_in_dim3A_195 : vector<1000x1xi1> to vector<1000x131xi1>
    %broadcast_in_dim3A_197 = vector.shape_cast %div3A_177 : vector<1x131xf32> to vector<1x131xf32>
    %broadcast_in_dim3A_198 = vector.broadcast %broadcast_in_dim3A_197 : vector<1x131xf32> to vector<1000x131xf32>
    %select_n3A_199 = arith.select %broadcast_in_dim3A_196, %broadcast_in_dim3A_198, %select_n3A_158 : vector<1000x131xi1>, vector<1000x131xf32>
    %broadcast_in_dim3A_200 = vector.shape_cast %eq3A_194 : vector<1000x1xi1> to vector<1000x1xi1>
    %broadcast_in_dim3A_201 = vector.broadcast %broadcast_in_dim3A_200 : vector<1000x1xi1> to vector<1000x131xi1>
    %broadcast_in_dim3A_202 = vector.shape_cast %sqrt3A_191 : vector<1x131xf32> to vector<1x131xf32>
    %broadcast_in_dim3A_203 = vector.broadcast %broadcast_in_dim3A_202 : vector<1x131xf32> to vector<1000x131xf32>
    %select_n3A_204 = arith.select %broadcast_in_dim3A_201, %broadcast_in_dim3A_203, %select_n3A_163 : vector<1000x131xi1>, vector<1000x131xf32>
    %get3A_205 = arith.constant 5 : index
    %get3A_206 = arith.constant 0 : index
    %get3A_207 = vector.load %arg3[%get3A_205, %get3A_206] : memref<8x1xf32, #tpu.memory_space<vmem>>, vector<1x1xf32>
    %get3A_208 = vector.extract %get3A_207[0, 0] : f32 from vector<1x1xf32>
    %get3A_209 = arith.constant 5 : index
    %get3A_210 = arith.constant 0 : index
    %get3A_211 = vector.load %arg4[%get3A_209, %get3A_210] : memref<8x131xf32, #tpu.memory_space<vmem>>, vector<1x131xf32>
    %get3A_212 = arith.constant 5 : index
    %get3A_213 = arith.constant 0 : index
    %get3A_214 = vector.load %arg5[%get3A_212, %get3A_213] : memref<8x131xf32, #tpu.memory_space<vmem>>, vector<1x131xf32>
    %max3A_215 = arith.constant 1.000000e+00 : f32
    %max3A_216 = arith.maximumf %get3A_208, %max3A_215 : f32
    %div3A_217 = vector.broadcast %max3A_216 : f32 to vector<1x131xf32>
    %div3A_218 = arith.divf %get3A_211, %div3A_217 : vector<1x131xf32>
    %mul3A_219 = arith.mulf %get3A_211, %get3A_211 : vector<1x131xf32>
    %div3A_220 = vector.broadcast %max3A_216 : f32 to vector<1x131xf32>
    %div3A_221 = arith.divf %mul3A_219, %div3A_220 : vector<1x131xf32>
    %sub3A_222 = arith.subf %get3A_214, %div3A_221 : vector<1x131xf32>
    %sub3A_223 = arith.constant 1.000000e+00 : f32
    %sub3A_224 = arith.subf %max3A_216, %sub3A_223 : f32
    %max3A_225 = arith.constant 1.000000e+00 : f32
    %max3A_226 = arith.maximumf %sub3A_224, %max3A_225 : f32
    %div3A_227 = vector.broadcast %max3A_226 : f32 to vector<1x131xf32>
    %div3A_228 = arith.divf %sub3A_222, %div3A_227 : vector<1x131xf32>
    %jit3A_229 = arith.constant 0.000000e+00 : f32
    %max3A_230 = vector.broadcast %jit3A_229 : f32 to vector<1x131xf32>
    %max3A_231 = arith.maximumf %max3A_230, %div3A_228 : vector<1x131xf32>
    %sqrt3A_232 = math.sqrt %max3A_231 : vector<1x131xf32>
    %eq3A_233 = arith.constant 5.000000e+00 : f32
    %eq3A_234 = vector.broadcast %eq3A_233 : f32 to vector<1000x1xf32>
    %eq3A_235 = arith.cmpf oeq, %get3A_4, %eq3A_234 : vector<1000x1xf32>
    %broadcast_in_dim3A_236 = vector.shape_cast %eq3A_235 : vector<1000x1xi1> to vector<1000x1xi1>
    %broadcast_in_dim3A_237 = vector.broadcast %broadcast_in_dim3A_236 : vector<1000x1xi1> to vector<1000x131xi1>
    %broadcast_in_dim3A_238 = vector.shape_cast %div3A_218 : vector<1x131xf32> to vector<1x131xf32>
    %broadcast_in_dim3A_239 = vector.broadcast %broadcast_in_dim3A_238 : vector<1x131xf32> to vector<1000x131xf32>
    %select_n3A_240 = arith.select %broadcast_in_dim3A_237, %broadcast_in_dim3A_239, %select_n3A_199 : vector<1000x131xi1>, vector<1000x131xf32>
    %broadcast_in_dim3A_241 = vector.shape_cast %eq3A_235 : vector<1000x1xi1> to vector<1000x1xi1>
    %broadcast_in_dim3A_242 = vector.broadcast %broadcast_in_dim3A_241 : vector<1000x1xi1> to vector<1000x131xi1>
    %broadcast_in_dim3A_243 = vector.shape_cast %sqrt3A_232 : vector<1x131xf32> to vector<1x131xf32>
    %broadcast_in_dim3A_244 = vector.broadcast %broadcast_in_dim3A_243 : vector<1x131xf32> to vector<1000x131xf32>
    %select_n3A_245 = arith.select %broadcast_in_dim3A_242, %broadcast_in_dim3A_244, %select_n3A_204 : vector<1000x131xi1>, vector<1000x131xf32>
    %get3A_246 = arith.constant 6 : index
    %get3A_247 = arith.constant 0 : index
    %get3A_248 = vector.load %arg3[%get3A_246, %get3A_247] : memref<8x1xf32, #tpu.memory_space<vmem>>, vector<1x1xf32>
    %get3A_249 = vector.extract %get3A_248[0, 0] : f32 from vector<1x1xf32>
    %get3A_250 = arith.constant 6 : index
    %get3A_251 = arith.constant 0 : index
    %get3A_252 = vector.load %arg4[%get3A_250, %get3A_251] : memref<8x131xf32, #tpu.memory_space<vmem>>, vector<1x131xf32>
    %get3A_253 = arith.constant 6 : index
    %get3A_254 = arith.constant 0 : index
    %get3A_255 = vector.load %arg5[%get3A_253, %get3A_254] : memref<8x131xf32, #tpu.memory_space<vmem>>, vector<1x131xf32>
    %max3A_256 = arith.constant 1.000000e+00 : f32
    %max3A_257 = arith.maximumf %get3A_249, %max3A_256 : f32
    %div3A_258 = vector.broadcast %max3A_257 : f32 to vector<1x131xf32>
    %div3A_259 = arith.divf %get3A_252, %div3A_258 : vector<1x131xf32>
    %mul3A_260 = arith.mulf %get3A_252, %get3A_252 : vector<1x131xf32>
    %div3A_261 = vector.broadcast %max3A_257 : f32 to vector<1x131xf32>
    %div3A_262 = arith.divf %mul3A_260, %div3A_261 : vector<1x131xf32>
    %sub3A_263 = arith.subf %get3A_255, %div3A_262 : vector<1x131xf32>
    %sub3A_264 = arith.constant 1.000000e+00 : f32
    %sub3A_265 = arith.subf %max3A_257, %sub3A_264 : f32
    %max3A_266 = arith.constant 1.000000e+00 : f32
    %max3A_267 = arith.maximumf %sub3A_265, %max3A_266 : f32
    %div3A_268 = vector.broadcast %max3A_267 : f32 to vector<1x131xf32>
    %div3A_269 = arith.divf %sub3A_263, %div3A_268 : vector<1x131xf32>
    %jit3A_270 = arith.constant 0.000000e+00 : f32
    %max3A_271 = vector.broadcast %jit3A_270 : f32 to vector<1x131xf32>
    %max3A_272 = arith.maximumf %max3A_271, %div3A_269 : vector<1x131xf32>
    %sqrt3A_273 = math.sqrt %max3A_272 : vector<1x131xf32>
    %eq3A_274 = arith.constant 6.000000e+00 : f32
    %eq3A_275 = vector.broadcast %eq3A_274 : f32 to vector<1000x1xf32>
    %eq3A_276 = arith.cmpf oeq, %get3A_4, %eq3A_275 : vector<1000x1xf32>
    %broadcast_in_dim3A_277 = vector.shape_cast %eq3A_276 : vector<1000x1xi1> to vector<1000x1xi1>
    %broadcast_in_dim3A_278 = vector.broadcast %broadcast_in_dim3A_277 : vector<1000x1xi1> to vector<1000x131xi1>
    %broadcast_in_dim3A_279 = vector.shape_cast %div3A_259 : vector<1x131xf32> to vector<1x131xf32>
    %broadcast_in_dim3A_280 = vector.broadcast %broadcast_in_dim3A_279 : vector<1x131xf32> to vector<1000x131xf32>
    %select_n3A_281 = arith.select %broadcast_in_dim3A_278, %broadcast_in_dim3A_280, %select_n3A_240 : vector<1000x131xi1>, vector<1000x131xf32>
    %broadcast_in_dim3A_282 = vector.shape_cast %eq3A_276 : vector<1000x1xi1> to vector<1000x1xi1>
    %broadcast_in_dim3A_283 = vector.broadcast %broadcast_in_dim3A_282 : vector<1000x1xi1> to vector<1000x131xi1>
    %broadcast_in_dim3A_284 = vector.shape_cast %sqrt3A_273 : vector<1x131xf32> to vector<1x131xf32>
    %broadcast_in_dim3A_285 = vector.broadcast %broadcast_in_dim3A_284 : vector<1x131xf32> to vector<1000x131xf32>
    %select_n3A_286 = arith.select %broadcast_in_dim3A_283, %broadcast_in_dim3A_285, %select_n3A_245 : vector<1000x131xi1>, vector<1000x131xf32>
    %get3A_287 = arith.constant 7 : index
    %get3A_288 = arith.constant 0 : index
    %get3A_289 = vector.load %arg3[%get3A_287, %get3A_288] : memref<8x1xf32, #tpu.memory_space<vmem>>, vector<1x1xf32>
    %get3A_290 = vector.extract %get3A_289[0, 0] : f32 from vector<1x1xf32>
    %get3A_291 = arith.constant 7 : index
    %get3A_292 = arith.constant 0 : index
    %get3A_293 = vector.load %arg4[%get3A_291, %get3A_292] : memref<8x131xf32, #tpu.memory_space<vmem>>, vector<1x131xf32>
    %get3A_294 = arith.constant 7 : index
    %get3A_295 = arith.constant 0 : index
    %get3A_296 = vector.load %arg5[%get3A_294, %get3A_295] : memref<8x131xf32, #tpu.memory_space<vmem>>, vector<1x131xf32>
    %max3A_297 = arith.constant 1.000000e+00 : f32
    %max3A_298 = arith.maximumf %get3A_290, %max3A_297 : f32
    %div3A_299 = vector.broadcast %max3A_298 : f32 to vector<1x131xf32>
    %div3A_300 = arith.divf %get3A_293, %div3A_299 : vector<1x131xf32>
    %mul3A_301 = arith.mulf %get3A_293, %get3A_293 : vector<1x131xf32>
    %div3A_302 = vector.broadcast %max3A_298 : f32 to vector<1x131xf32>
    %div3A_303 = arith.divf %mul3A_301, %div3A_302 : vector<1x131xf32>
    %sub3A_304 = arith.subf %get3A_296, %div3A_303 : vector<1x131xf32>
    %sub3A_305 = arith.constant 1.000000e+00 : f32
    %sub3A_306 = arith.subf %max3A_298, %sub3A_305 : f32
    %max3A_307 = arith.constant 1.000000e+00 : f32
    %max3A_308 = arith.maximumf %sub3A_306, %max3A_307 : f32
    %div3A_309 = vector.broadcast %max3A_308 : f32 to vector<1x131xf32>
    %div3A_310 = arith.divf %sub3A_304, %div3A_309 : vector<1x131xf32>
    %jit3A_311 = arith.constant 0.000000e+00 : f32
    %max3A_312 = vector.broadcast %jit3A_311 : f32 to vector<1x131xf32>
    %max3A_313 = arith.maximumf %max3A_312, %div3A_310 : vector<1x131xf32>
    %sqrt3A_314 = math.sqrt %max3A_313 : vector<1x131xf32>
    %eq3A_315 = arith.constant 7.000000e+00 : f32
    %eq3A_316 = vector.broadcast %eq3A_315 : f32 to vector<1000x1xf32>
    %eq3A_317 = arith.cmpf oeq, %get3A_4, %eq3A_316 : vector<1000x1xf32>
    %broadcast_in_dim3A_318 = vector.shape_cast %eq3A_317 : vector<1000x1xi1> to vector<1000x1xi1>
    %broadcast_in_dim3A_319 = vector.broadcast %broadcast_in_dim3A_318 : vector<1000x1xi1> to vector<1000x131xi1>
    %broadcast_in_dim3A_320 = vector.shape_cast %div3A_300 : vector<1x131xf32> to vector<1x131xf32>
    %broadcast_in_dim3A_321 = vector.broadcast %broadcast_in_dim3A_320 : vector<1x131xf32> to vector<1000x131xf32>
    %select_n3A_322 = arith.select %broadcast_in_dim3A_319, %broadcast_in_dim3A_321, %select_n3A_281 : vector<1000x131xi1>, vector<1000x131xf32>
    %broadcast_in_dim3A_323 = vector.shape_cast %eq3A_317 : vector<1000x1xi1> to vector<1000x1xi1>
    %broadcast_in_dim3A_324 = vector.broadcast %broadcast_in_dim3A_323 : vector<1000x1xi1> to vector<1000x131xi1>
    %broadcast_in_dim3A_325 = vector.shape_cast %sqrt3A_314 : vector<1x131xf32> to vector<1x131xf32>
    %broadcast_in_dim3A_326 = vector.broadcast %broadcast_in_dim3A_325 : vector<1x131xf32> to vector<1000x131xf32>
    %select_n3A_327 = arith.select %broadcast_in_dim3A_324, %broadcast_in_dim3A_326, %select_n3A_286 : vector<1000x131xi1>, vector<1000x131xf32>
    %sub3A_328 = arith.subf %get3A_1, %select_n3A_322 : vector<1000x131xf32>
    %add3A = arith.constant 9.99999993E-9 : f32
    %add3A_329 = vector.broadcast %add3A : f32 to vector<1000x131xf32>
    %add3A_330 = arith.addf %select_n3A_327, %add3A_329 : vector<1000x131xf32>
    %div3A_331 = arith.divf %sub3A_328, %add3A_330 : vector<1000x131xf32>
    %mul3A_332 = arith.mulf %div3A_331, %div3A_331 : vector<1000x131xf32>
    %reduce_sum3A = arith.constant dense<0.000000e+00> : vector<1000xf32>
    %reduce_sum3A_333 = vector.multi_reduction <add>, %mul3A_332, %reduce_sum3A [1] : vector<1000x131xf32> to vector<1000xf32>
    %broadcast_in_dim3A_334 = vector.shape_cast %reduce_sum3A_333 : vector<1000xf32> to vector<1000x1xf32>
    %swap3A = arith.constant 0 : index
    %swap3A_335 = arith.constant 0 : index
    %swap3A_336 = vector.load %arg7[%swap3A, %swap3A_335] : memref<1000x1xf32, #tpu.memory_space<vmem>>, vector<1000x1xf32>
    tpu.vector_store %arg7[%swap3A, %swap3A_335], %broadcast_in_dim3A_334 {strides = array<i32>} : memref<1000x1xf32, #tpu.memory_space<vmem>>, vector<1000x1xf32>,
    %broadcast_in_dim3A_337 = arith.constant 0.000000e+00 : f32
    %broadcast_in_dim3A_338 = vector.broadcast %broadcast_in_dim3A_337 : f32 to vector<1000x124xf32>
    %concatenate3A = tpu.concatenate %div3A_331, %get3A_4, %broadcast_in_dim3A_338 in 1 : vector<1000x131xf32>, vector<1000x1xf32>, vector<1000x124xf32> -> vector<1000x256xf32>
    %swap3A_339 = arith.constant 0 : index
    %swap3A_340 = arith.constant 0 : index
    %swap3A_341 = vector.load %arg6[%swap3A_339, %swap3A_340] : memref<1000x256xf32, #tpu.memory_space<vmem>>, vector<1000x256xf32>
    tpu.vector_store %arg6[%swap3A_339, %swap3A_340], %concatenate3A {strides = array<i32>} : memref<1000x256xf32, #tpu.memory_space<vmem>>, vector<1000x256xf32>,
    return
  }
  func.func @transform_0(%arg0: i32) -> (i32, i32) {
    %c0_i32 = arith.constant 0 : i32
    %c0_i32_0 = arith.constant 0 : i32
    return %arg0, %c0_i32 : i32, i32
  }
  func.func @transform_1(%arg0: i32) -> (i32, i32) {
    %c0_i32 = arith.constant 0 : i32
    %c0_i32_0 = arith.constant 0 : i32
    return %arg0, %c0_i32 : i32, i32
  }
  func.func @transform_2(%arg0: i32) -> (i32, i32) {
    %c0_i32 = arith.constant 0 : i32
    %c0_i32_0 = arith.constant 0 : i32
    %c0_i32_1 = arith.constant 0 : i32
    return %c0_i32, %c0_i32_0 : i32, i32
  }
  func.func @transform_3(%arg0: i32) -> (i32, i32) {
    %c0_i32 = arith.constant 0 : i32
    %c0_i32_0 = arith.constant 0 : i32
    %c0_i32_1 = arith.constant 0 : i32
    return %c0_i32, %c0_i32_0 : i32, i32
  }
  func.func @transform_4(%arg0: i32) -> (i32, i32) {
    %c0_i32 = arith.constant 0 : i32
    %c0_i32_0 = arith.constant 0 : i32
    %c0_i32_1 = arith.constant 0 : i32
    return %c0_i32, %c0_i32_0 : i32, i32
  }
  func.func @transform_5(%arg0: i32) -> (i32, i32) {
    %c0_i32 = arith.constant 0 : i32
    %c0_i32_0 = arith.constant 0 : i32
    return %arg0, %c0_i32 : i32, i32
  }
  func.func @transform_6(%arg0: i32) -> (i32, i32) {
    %c0_i32 = arith.constant 0 : i32
    %c0_i32_0 = arith.constant 0 : i32
    return %arg0, %c0_i32 : i32, i32
  }
}

module attributes {stable_mosaic.version = 14 : i64} {
  func.func @_dist_topk_kernel(%arg0: i32, %arg1: memref<128x256xf32, #tpu.memory_space<vmem>>, %arg2: memref<10000x256xf32, #tpu.memory_space<vmem>>, %arg3: memref<1x10000xf32, #tpu.memory_space<vmem>>, %arg4: memref<1x10000xf32, #tpu.memory_space<vmem>>, %arg5: memref<128x16xi32, #tpu.memory_space<vmem>>, %arg6: memref<128x10000xf32, #tpu.memory_space<vmem>>) attributes {dimension_semantics = [#tpu.dimension_semantics<arbitrary>], iteration_bounds = array<i64: 16>, scalar_prefetch = 0 : i64, scratch_operands = 1 : i64, tpu.core_type = #tpu.core_type<tc>, window_params = [{transform_indices = @transform_0, window_bounds = array<i64: 128, 256>}, {pipeline_mode = #tpu.pipeline_mode<synchronous>, transform_indices = @transform_1, window_bounds = array<i64: 10000, 256>}, {pipeline_mode = #tpu.pipeline_mode<synchronous>, transform_indices = @transform_2, window_bounds = array<i64: 1, 10000>}, {pipeline_mode = #tpu.pipeline_mode<synchronous>, transform_indices = @transform_3, window_bounds = array<i64: 1, 10000>}, {transform_indices = @transform_4, window_bounds = array<i64: 128, 16>}]} {
    %get3A = arith.constant 0 : index
    %get3A_0 = arith.constant 0 : index
    %get3A_1 = vector.load %arg1[%get3A, %get3A_0] : memref<128x256xf32, #tpu.memory_space<vmem>>, vector<128x256xf32>
    %get3A_2 = arith.constant 0 : index
    %get3A_3 = arith.constant 0 : index
    %get3A_4 = vector.load %arg2[%get3A_2, %get3A_3] : memref<10000x256xf32, #tpu.memory_space<vmem>>, vector<10000x256xf32>
    %iota3A = tpu.iota {dimensions = array<i32: 1>} : vector<1x256xi32>
    %lt3A = arith.constant 131 : i32
    %lt3A_5 = vector.broadcast %lt3A : i32 to vector<1x256xi32>
    %lt3A_6 = arith.cmpi slt, %iota3A, %lt3A_5 : vector<1x256xi32>
    %jit3A = arith.constant 0.000000e+00 : f32
    %broadcast_in_dim3A = vector.shape_cast %lt3A_6 : vector<1x256xi1> to vector<1x256xi1>
    %broadcast_in_dim3A_7 = vector.broadcast %broadcast_in_dim3A : vector<1x256xi1> to vector<128x256xi1>
    %broadcast_in_dim3A_8 = vector.broadcast %jit3A : f32 to vector<128x256xf32>
    %select_n3A = arith.select %broadcast_in_dim3A_7, %get3A_1, %broadcast_in_dim3A_8 : vector<128x256xi1>, vector<128x256xf32>
    %mul3A = arith.mulf %select_n3A, %select_n3A : vector<128x256xf32>
    %reduce_sum3A = arith.constant dense<0.000000e+00> : vector<128xf32>
    %reduce_sum3A_9 = vector.multi_reduction <add>, %mul3A, %reduce_sum3A [1] : vector<128x256xf32> to vector<128xf32>
    %broadcast_in_dim3A_10 = vector.shape_cast %reduce_sum3A_9 : vector<128xf32> to vector<128x1xf32>
    %dot_general3A = arith.constant dense<0.000000e+00> : vector<128x10000xf32>
    %dot_general3A_11 = tpu.matmul %select_n3A, %get3A_4, %dot_general3A {dimension_numbers = #tpu.dot_dimension_numbers<[1], [1], [0], [0], [0, 0, 1, 0], [], []>, transpose_lhs_hint = false} : vector<128x256xf32>, vector<10000x256xf32>, vector<128x10000xf32> -> vector<128x10000xf32>
    %get3A_12 = arith.constant 0 : index
    %get3A_13 = arith.constant 0 : index
    %get3A_14 = vector.load %arg3[%get3A_12, %get3A_13] : memref<1x10000xf32, #tpu.memory_space<vmem>>, vector<1x10000xf32>
    %add3A = vector.broadcast %broadcast_in_dim3A_10 : vector<128x1xf32> to vector<128x10000xf32>
    %add3A_15 = vector.broadcast %get3A_14 : vector<1x10000xf32> to vector<128x10000xf32>
    %add3A_16 = arith.addf %add3A, %add3A_15 : vector<128x10000xf32>
    %mul3A_17 = arith.constant 2.000000e+00 : f32
    %mul3A_18 = vector.broadcast %mul3A_17 : f32 to vector<128x10000xf32>
    %mul3A_19 = arith.mulf %mul3A_18, %dot_general3A_11 : vector<128x10000xf32>
    %sub3A = arith.subf %add3A_16, %mul3A_19 : vector<128x10000xf32>
    %slice3A = vector.extract_strided_slice %get3A_1 {offsets = [0, 131], sizes = [128, 1], strides = [1, 1]} : vector<128x256xf32> to vector<128x1xf32>
    %get3A_20 = arith.constant 0 : index
    %get3A_21 = arith.constant 0 : index
    %get3A_22 = vector.load %arg4[%get3A_20, %get3A_21] : memref<1x10000xf32, #tpu.memory_space<vmem>>, vector<1x10000xf32>
    %ne3A = vector.broadcast %slice3A : vector<128x1xf32> to vector<128x10000xf32>
    %ne3A_23 = vector.broadcast %get3A_22 : vector<1x10000xf32> to vector<128x10000xf32>
    %ne3A_24 = arith.cmpf one, %ne3A, %ne3A_23 : vector<128x10000xf32>
    %jit3A_25 = arith.constant 1.000000e+10 : f32
    %broadcast_in_dim3A_26 = vector.broadcast %jit3A_25 : f32 to vector<128x10000xf32>
    %select_n3A_27 = arith.select %ne3A_24, %broadcast_in_dim3A_26, %sub3A : vector<128x10000xi1>, vector<128x10000xf32>
    %swap3A = arith.constant 0 : index
    %swap3A_28 = arith.constant 0 : index
    %swap3A_29 = vector.load %arg6[%swap3A, %swap3A_28] : memref<128x10000xf32, #tpu.memory_space<vmem>>, vector<128x10000xf32>
    tpu.vector_store %arg6[%swap3A, %swap3A_28], %select_n3A_27 {strides = array<i32>} : memref<128x10000xf32, #tpu.memory_space<vmem>>, vector<128x10000xf32>,
    %iota3A_30 = tpu.iota {dimensions = array<i32: 1>} : vector<1x10000xi32>
    %iota3A_31 = tpu.iota {dimensions = array<i32: 1>} : vector<128x16xi32>
    %broadcast_in_dim3A_32 = arith.constant 0 : i32
    %broadcast_in_dim3A_33 = vector.broadcast %broadcast_in_dim3A_32 : i32 to vector<128x16xi32>
    %scan3A = arith.constant 0 : i32
    %scan3A_34 = arith.constant 16 : i32
    %scan3A_35 = arith.addi %scan3A, %scan3A_34 : i32
    %scan3A_36 = arith.constant 1 : i32
    %scan3A_37 = scf.for %scan3A_42 = %scan3A to %scan3A_35 step %scan3A_36 iter_args(%scan3A_43 = %broadcast_in_dim3A_33) -> (vector<128x16xi32>)  : i32 {
      %get3A_44 = arith.constant 0 : index
      %get3A_45 = arith.constant 0 : index
      %get3A_46 = vector.load %arg6[%get3A_44, %get3A_45] : memref<128x10000xf32, #tpu.memory_space<vmem>>, vector<128x10000xf32>
      %reduce_min3A = arith.constant dense<0x7F800000> : vector<128xf32>
      %reduce_min3A_47 = vector.multi_reduction <minimumf>, %get3A_46, %reduce_min3A [1] : vector<128x10000xf32> to vector<128xf32>
      %broadcast_in_dim3A_48 = vector.shape_cast %reduce_min3A_47 : vector<128xf32> to vector<128x1xf32>
      %eq3A = vector.broadcast %broadcast_in_dim3A_48 : vector<128x1xf32> to vector<128x10000xf32>
      %eq3A_49 = arith.cmpf oeq, %get3A_46, %eq3A : vector<128x10000xf32>
      %jit3A_50 = arith.constant 10000 : i32
      %broadcast_in_dim3A_51 = vector.shape_cast %iota3A_30 : vector<1x10000xi32> to vector<1x10000xi32>
      %broadcast_in_dim3A_52 = vector.broadcast %broadcast_in_dim3A_51 : vector<1x10000xi32> to vector<128x10000xi32>
      %broadcast_in_dim3A_53 = vector.broadcast %jit3A_50 : i32 to vector<128x10000xi32>
      %select_n3A_54 = arith.select %eq3A_49, %broadcast_in_dim3A_52, %broadcast_in_dim3A_53 : vector<128x10000xi1>, vector<128x10000xi32>
      %reduce_min3A_55 = arith.constant dense<2147483647> : vector<128xi32>
      %reduce_min3A_56 = vector.multi_reduction <minsi>, %select_n3A_54, %reduce_min3A_55 [1] : vector<128x10000xi32> to vector<128xi32>
      %broadcast_in_dim3A_57 = vector.shape_cast %reduce_min3A_56 : vector<128xi32> to vector<128x1xi32>
      %eq3A_58 = vector.broadcast %iota3A_30 : vector<1x10000xi32> to vector<128x10000xi32>
      %eq3A_59 = vector.broadcast %broadcast_in_dim3A_57 : vector<128x1xi32> to vector<128x10000xi32>
      %eq3A_60 = arith.cmpi eq, %eq3A_58, %eq3A_59 : vector<128x10000xi32>
      %jit3A_61 = arith.constant 3.000000e+38 : f32
      %broadcast_in_dim3A_62 = vector.broadcast %jit3A_61 : f32 to vector<128x10000xf32>
      %select_n3A_63 = arith.select %eq3A_60, %broadcast_in_dim3A_62, %get3A_46 : vector<128x10000xi1>, vector<128x10000xf32>
      %swap3A_64 = arith.constant 0 : index
      %swap3A_65 = arith.constant 0 : index
      %swap3A_66 = vector.load %arg6[%swap3A_64, %swap3A_65] : memref<128x10000xf32, #tpu.memory_space<vmem>>, vector<128x10000xf32>
      tpu.vector_store %arg6[%swap3A_64, %swap3A_65], %select_n3A_63 {strides = array<i32>} : memref<128x10000xf32, #tpu.memory_space<vmem>>, vector<128x10000xf32>,
      %eq3A_67 = vector.broadcast %scan3A_42 : i32 to vector<128x16xi32>
      %eq3A_68 = arith.cmpi eq, %iota3A_31, %eq3A_67 : vector<128x16xi32>
      %broadcast_in_dim3A_69 = vector.shape_cast %broadcast_in_dim3A_57 : vector<128x1xi32> to vector<128x1xi32>
      %broadcast_in_dim3A_70 = vector.broadcast %broadcast_in_dim3A_69 : vector<128x1xi32> to vector<128x16xi32>
      %select_n3A_71 = arith.select %eq3A_68, %broadcast_in_dim3A_70, %scan3A_43 : vector<128x16xi1>, vector<128x16xi32>
      scf.yield %select_n3A_71 : vector<128x16xi32>
    }
    %scan3A_38 = arith.constant 16 : i32
    %swap3A_39 = arith.constant 0 : index
    %swap3A_40 = arith.constant 0 : index
    %swap3A_41 = vector.load %arg5[%swap3A_39, %swap3A_40] : memref<128x16xi32, #tpu.memory_space<vmem>>, vector<128x16xi32>
    tpu.vector_store %arg5[%swap3A_39, %swap3A_40], %scan3A_37 {strides = array<i32>} : memref<128x16xi32, #tpu.memory_space<vmem>>, vector<128x16xi32>,
    return
  }
  func.func @transform_0(%arg0: i32) -> (i32, i32) {
    %c0_i32 = arith.constant 0 : i32
    %c0_i32_0 = arith.constant 0 : i32
    return %arg0, %c0_i32 : i32, i32
  }
  func.func @transform_1(%arg0: i32) -> (i32, i32) {
    %c0_i32 = arith.constant 0 : i32
    %c0_i32_0 = arith.constant 0 : i32
    %c0_i32_1 = arith.constant 0 : i32
    return %c0_i32, %c0_i32_0 : i32, i32
  }
  func.func @transform_2(%arg0: i32) -> (i32, i32) {
    %c0_i32 = arith.constant 0 : i32
    %c0_i32_0 = arith.constant 0 : i32
    %c0_i32_1 = arith.constant 0 : i32
    return %c0_i32, %c0_i32_0 : i32, i32
  }
  func.func @transform_3(%arg0: i32) -> (i32, i32) {
    %c0_i32 = arith.constant 0 : i32
    %c0_i32_0 = arith.constant 0 : i32
    %c0_i32_1 = arith.constant 0 : i32
    return %c0_i32, %c0_i32_0 : i32, i32
  }
  func.func @transform_4(%arg0: i32) -> (i32, i32) {
    %c0_i32 = arith.constant 0 : i32
    %c0_i32_0 = arith.constant 0 : i32
    return %arg0, %c0_i32 : i32, i32
  }
}

</mosaic_0001>

<sc_bundles>
// kernel: kernel.6.cloned.1.call-start
scs
__scs_entry_jumppad:
0x0: {  	(pc) =	sbr.rel $0x88, $3  }
0x1: {  	(tag) =	ssettag $0x0;
	lr =	simm.s32 $0x1  }
0x2: {  	[smem:$0x3F95] =	sst lr;
	_ =	strace $0xD0000000  }
0x3: {  	_ = 	snop  }
0x4: {  	_ = 	snop  }
0x5: {  	_ = 	snop  }
0x6: {  	_ = 	snop  }
0x7: {  	_ = 	snop  }
__scs_overlays_trampoline_lowered:
0x8: {  	[smem:$0x3FA4] =	sst s0  }
0x9: {  	[smem:$0x3FA5] =	sst s1  }
0xa: {  	[smem:$0x3FA6] =	sst s2  }
0xb: {  	[smem:$0x3FA7] =	sst s3  }
0xc: {  	[smem:$0x3FA8] =	sst s4  }
0xd: {  	[smem:$0x3FA9] =	sst s5  }
0xe: {  	[smem:$0x3FAA] =	sst s6  }
0xf: {  	[smem:$0x3FAB] =	sst s7  }
0x10: {  	[smem:$0x3FAC] =	sst s8  }
0x11: {  	[smem:$0x3FAD] =	sst s9;
	s0 =	simm.s32 @!p0 $0x0  }
0x12: {  	s1 =	sld [smem:$0x3F93];
	s0 =	simm.s32 @p0 $0x1  }
0x13: {  	[smem:$0x3FAE] =	sst s0;
	s0 =	simm.s32 @!p1 $0x0  }
0x14: {  	s2 =	sld [smem:$0x3F92];
	s0 =	simm.s32 @p1 $0x1  }
0x15: {  	[smem:$0x3FAF] =	sst s0;
	s0 =	simm.s32 @!p2 $0x0  }
0x16: {  	s3 =	sld [smem:$0x3FDB];
	s0 =	simm.s32 @p2 $0x1  }
0x17: {  	s4 =	simm.s32 $0x1BF5;
	[smem:$0x3FB1] =	sst s0  }
0x18: {  	s0 =	sld [smem:$0x3F94];
	_ =	swait.ge [sflag:s4], $0x0  }
0x19: {  	s7 =	sld [smem:$0x3F95]  }
0x1a: {  	s8 =	sadd.s32 $0xFFFFE003, lr  }
0x1b: {  	s9 =	sadd.s32 $0xFFFFFEF7, lr;
	s5 =	simm.s32 $0xFFFFFFFF;
	p2 =	slt.u32 s8, $0xFFFFF086  }
0x1c: {  	p1 =	slt.u32 s9, $0xF7A;
	s5 =	simm.s32 @!p2 $0x0  }
0x1d: {  	s5 =	simm.s32 @p1 $0x1;
	p0 =	seq.s32 s7, s2  }
0x1e: {  	s7 =	smul.u32 @!p0 $0xF7A, s2;
	p2 =	seq.s32 @!p0 s5, $0x0  }
0x1f: {  	s9 =	smul.u32 $0xF7A, s1;
	s8 =	simm.s32 @!p0 $0x1BF5;
	p2 =	por !p2, p0  }
0x20: {  	[sflag:s8] =	ssyncset.s32 @!p0 $0xFFFFF086;
	s6 =	sadd.s32 @!p0 s3, s7;
	s7 =	simm.s32 @!p0 $0x108  }
0x21: {  	s3 =	sadd.s32 s3, s9;
	s6 =	sadd.s32 @!p0 $0x88, s6;
	s7 =	simm.s32 @p2 $0x1082  }
0x22: {  	[simem:s7], [sflag:s8] =	dma.local @!p0 [hbm:s6], $0xF7A  }
0x23: {  	s9 =	sor.u32 $0xD0000000, s2;
	s6 =	simm.s32 $0x108;
	_ =	swait.ge @!p0 [sflag:s8], $0x0  }
0x24: {  	s3 =	sadd.s32 $0x88, s3;
	s6 =	simm.s32 @!p1 $0x1082;
	[sflag:s4] =	ssyncset.s32 $0xFFFFF086  }
0x25: {  	[simem:s6], [sflag:s4] =	dma.local [hbm:s3], $0xF7A  }
0x26: {  	[smem:$0x3F95] =	sst s1;
	(tag) =	ssettag s2;
	_ =	strace s9  }
0x27: {  	s1 =	sld [smem:$0x3FA5]  }
0x28: {  	s2 =	sld [smem:$0x3FA6]  }
0x29: {  	s4 =	sld [smem:$0x3FA8]  }
0x2a: {  	p0 =	seq.s32 s5, $0x0;
	s5 =	sld [smem:$0x3FA9]  }
0x2b: {  	s6 =	sld [smem:$0x3FAA]  }
0x2c: {  	s7 =	sld [smem:$0x3FAB]  }
0x2d: {  	s3 =	simm.s32 $0x108;
	s8 =	sld [smem:$0x3FAC]  }
0x2e: {  	s3 =	simm.s32 @!p0 $0x1082;
	s9 =	sld [smem:$0x3FAD]  }
0x2f: {  	lr =	sadd.s32 s0, s3;
	s0 =	sld [smem:$0x3FA4]  }
0x30: {  	s3 =	sld [smem:$0x3FA7]  }
0x31: {  	[smem:$0x3FB0] =	sst s10  }
0x32: {  	s10 =	sld [smem:$0x3FAE];
	_ =	sdelay $0x3  }
0x33: {  	p0 =	seq.s32 s10, $0x1;
	s10 =	sld [smem:$0x3FB0];
	_ =	sdelay $0x3  }
0x34: {  	[smem:$0x3FB0] =	sst s10  }
0x35: {  	s10 =	sld [smem:$0x3FAF];
	_ =	sdelay $0x3  }
0x36: {  	p1 =	seq.s32 s10, $0x1;
	s10 =	sld [smem:$0x3FB0];
	_ =	sdelay $0x3  }
0x37: {  	[smem:$0x3FB0] =	sst s10  }
0x38: {  	s10 =	sld [smem:$0x3FB1]  }
0x39: {  	_ = 	snop;
	(pc) =	sbr.ind lr, $3  }
0x3a: {  	_ = 	snop  }
0x3b: {  	_ = 	snop  }
0x3c: {  	p2 =	seq.s32 s10, $0x1;
	s10 =	sld [smem:$0x3FB0]  }
0x3d: {  	_ =	shalt  }
0x3e: {  	_ =	shalt  }
0x3f: {  	_ =	shalt  }
0x40: {  	_ =	shalt  }
0x41: {  	_ =	shalt  }
0x42: {  	_ =	shalt  }
0x43: {  	_ =	shalt  }
0x44: {  	_ =	shalt  }
0x45: {  	_ =	shalt  }
0x46: {  	_ =	shalt  }
0x47: {  	_ =	shalt  }
0x48: {  	_ =	shalt  }
0x49: {  	_ =	shalt  }
0x4a: {  	_ =	shalt  }
0x4b: {  	_ =	shalt  }
0x4c: {  	_ =	shalt  }
0x4d: {  	_ =	shalt  }
0x4e: {  	_ =	shalt  }
0x4f: {  	_ =	shalt  }
0x50: {  	_ =	shalt  }
0x51: {  	_ =	shalt  }
0x52: {  	_ =	shalt  }
0x53: {  	_ =	shalt  }
0x54: {  	_ =	shalt  }
0x55: {  	_ =	shalt  }
0x56: {  	_ =	shalt  }
0x57: {  	_ =	shalt  }
0x58: {  	_ =	shalt  }
0x59: {  	_ =	shalt  }
0x5a: {  	_ =	shalt  }
0x5b: {  	_ =	shalt  }
0x5c: {  	_ =	shalt  }
0x5d: {  	_ =	shalt  }
0x5e: {  	_ =	shalt  }
0x5f: {  	_ =	shalt  }
0x60: {  	_ =	shalt  }
0x61: {  	_ =	shalt  }
0x62: {  	_ =	shalt  }
0x63: {  	_ =	shalt  }
0x64: {  	_ =	shalt  }
0x65: {  	_ =	shalt  }
0x66: {  	_ =	shalt  }
0x67: {  	_ =	shalt  }
0x68: {  	_ =	shalt  }
0x69: {  	_ =	shalt  }
0x6a: {  	_ =	shalt  }
0x6b: {  	_ =	shalt  }
0x6c: {  	_ =	shalt  }
0x6d: {  	_ =	shalt  }
0x6e: {  	_ =	shalt  }
0x6f: {  	_ =	shalt  }
0x70: {  	_ =	shalt  }
0x71: {  	_ =	shalt  }
0x72: {  	_ =	shalt  }
0x73: {  	_ =	shalt  }
0x74: {  	_ =	shalt  }
0x75: {  	_ =	shalt  }
0x76: {  	_ =	shalt  }
0x77: {  	_ =	shalt  }
0x78: {  	_ =	shalt  }
0x79: {  	_ =	shalt  }
0x7a: {  	_ =	shalt  }
0x7b: {  	_ =	shalt  }
0x7c: {  	_ =	shalt  }
0x7d: {  	_ =	shalt  }
0x7e: {  	_ =	shalt  }
0x7f: {  	_ =	shalt  }
0x80: {  	_ =	shalt  }
0x81: {  	_ =	shalt  }
0x82: {  	_ =	shalt  }
0x83: {  	_ =	shalt  }
0x84: {  	_ =	shalt  }
0x85: {  	_ =	shalt  }
0x86: {  	_ =	shalt  }
0x87: {  	_ =	shalt  }
.Lfunc_end0:
.L_simem_size_0:
called_computation_lowered:
.L_overlay_start_0:
0x88: {  	s2 =	sld [smem:$0x3FD9]  }
0x89: {  	s3 =	sld [smem:$0x3FFE];
	_ =	sdelay $0x1  }
0x8a: {  	s1 =	srdreg.scid  }
0x8b: {  	s0 =	sand.u32 $0x1, s1  }
0x8c: {  	s17 =	sshll.u32 s0, $0xA;
	s2 =	sadd.s32 s3, s2  }
0x8d: {  	s2 =	sadd.s32 s2, s17  }
0x8e: {  	[smem:$0x3FBC] =	sst s2  }
0x8f: {  	_ = 	snop  }
0x90: {  	s2 =	sld [smem:$0x3FC6];
	(tm) =	ssettm $0x1  }
0x91: {  	s18 =	sld [smem:$0x3FFB];
	_ =	sdelay $0x3  }
0x92: {  	_ =	strace s18  }
0x93: {  	s3 =	sld [smem:$0x3FFC];
	_ =	sdelay $0x3  }
0x94: {  	_ =	strace s3  }
0x95: {  	s3 =	sld [smem:$0x3FFD];
	_ =	sdelay $0x3  }
0x96: {  	_ =	strace s3  }
0x97: {  	_ =	strace $0x8FFFFFFF  }
0x98: {  	s19 =	sld [smem:$0x3FDB];
	_ =	sdelay $0x1  }
0x99: {  	s4 =	simm.s32 $_scs_section_size  }
0x9a: {  	s5 =	simm.s32 $_size__tile_overlayer_lowered;
	s6 =	simm.s32 $_tile_overlayer_lowered  }
0x9b: {  	s22 =	simm.s32 $0x1BFF;
	s21 =	sshll.u32 s6, $0x1;
	s3 =	sadd.s32 s4, s19  }
0x9c: {  	s7 =	simm.s32 $0x0;
	s20 =	sshll.u32 s5, $0x1;
	s5 =	sadd.s32 s21, s3  }
0x9d: {  	[timem:s7], [sflag:s22] =	dma.local [hbm:s5], s20  }
0x9e: {  	_ =	swait.ge [sflag:s22], s20  }
0x9f: {  	s4 =	ssub.s32 $0x0, s20;
	[sflag:s22] =	ssyncset.done $0x0  }
0xa0: {  	[sflag:s22] =	ssyncadd.s32 s4;
	_ =	sdelay $0x1  }
0xa1: {  	s23 =	simm.s32 $0x1B8B  }
0xa2: {  	_ =	swait.ge [sflag:s23], $0x1  }
0xa3: {  	[sflag:s23] =	ssyncset.done $0x0  }
0xa4: {  	s25 =	simm.s32 $0x1B8E;
	s24 =	sld [smem:$0x3FFE];
	[sflag:s23] =	ssyncadd.s32 $0xFFFFFFFF  }
0xa5: {  	s26 =	simm.s32 $execute0_lowered;
	[smem:$0x3FD2] =	sst s25  }
0xa6: {  	s5 =	sshll.u32 s26, $0x1;
	_ =	strace $0x80000046;
	[dreg:$0x1] =	wrdreg $0xFFFFFFFF  }
0xa7: {  	s28 =	simm.s32 $_size_execute0_lowered;
	s3 =	sadd.s32 s3, s5;
	[dreg:$0x0] =	wrdreg $0x0  }
0xa8: {  	s5 =	sshll.u32 s28, $0x1;
	[dreg:$0x2] =	wrdreg s3  }
0xa9: {  	[dreg:$0x3] =	wrdreg s5  }
0xaa: {  	[dreg:$0x4] =	wrdreg $0xC0  }
0xab: {  	_ =	task [dreg:s7], $0x5FFFF  }
0xac: {  	[dreg:$0x1] =	wrdreg $0xFFFFFFFF  }
0xad: {  	[dreg:$0x0] =	wrdreg $0x60  }
0xae: {  	[dreg:$0x2] =	wrdreg s24  }
0xaf: {  	[dreg:$0x3] =	wrdreg s2  }
0xb0: {  	[dreg:$0x4] =	wrdreg $0x9  }
0xb1: {  	_ =	task.clear_ibuf [dreg:s7], $0x5FFFF;
	_ =	strace $0x90000046  }
0xb2: {  	s29 =	simm.s32 $0x9;
	_ =	strace $0x80000048  }
0xb3: {  	_ =	swait.ge [sflag:s29], $0x1  }
0xb4: {  	[sflag:s29] =	ssyncadd.s32 $0xFFFFFFFF  }
0xb5: {  	_ =	strace $0x90000048  }
0xb6: {  	_ =	sfence  }
0xb7: {  	s30 =	sld [smem:$0x0];
	_ =	sdelay $0x2  }
0xb8: {  	s31 =	sshll.u32 s1, $0xD;
	s1 =	sshrl.u32 s1, $0x2  }
0xb9: {  	s3 =	sand.u32 $0x4000, s31;
	s1 =	sadd.s32 s1, s30  }
0xba: {  	s0 =	sor.u32 s3, s0;
	s1 =	sshll.u32 s1, $0x11  }
0xbb: {  	s0 =	sor.u32 s1, s0  }
0xbc: {  	s0 =	sadd.s32 $0x8F2B, s0  }
0xbd: {  	[sflag:s0] =	ssyncadd.remote.s32 $0x1  }
0xbe: {  	_ =	sfence.sel $0xFFFF  }
0xbf: {  	[dreg:$0x0] =	wrdreg $0xFFFFFFFF;
	(pc) =	sbr.abs _section_cstart, $3  }
0xc0: {  	[dreg:$0x1] =	wrdreg $0xFFFFFFFF  }
0xc1: {  	_ =	task.clear_ibuf [dreg:s7], $0x2FFFF;
	_ =	strace $0x9FFFFFFF  }
0xc2: {  	(tm) =	ssettm $0x7FFFFFFF  }
0xc3: {  	_ =	shalt  }
tec
execute0_lowered:
.L_overlay_start_1:
0x0: {  	(tag) =	ssettag $0x1  }
0x1: {  	s4 =	rddreg [dreg:$0x0]  }
0x2: {  	s5 =	rddreg [dreg:$0x1]  }
0x3: {  	s0 =	rddreg [dreg:$0x2];
	s2 =	simm.s32 $0x0;
	s3 =	srdreg.scid  }
0x4: {  	s1 =	stileid.u32;
	s10 =	simm.s32 $0x1080;
	s11 =	simm.s32 $0x1880  }
0x5: {  	s12 =	simm.s32 $0x2080;
	s13 =	simm.s32 $0x2880;
	s14 =	simm.s32 $0x3080  }
0x6: {  	s15 =	simm.s32 $0x3880;
	s16 =	simm.s32 $0x1;
	s6 =	sand.u32 $0x1, s3  }
0x7: {  	[smem:$0x7FF] =	sst s2;
	s7 =	sshll.u32 s1, $0x7;
	s8 =	sshll.u32 s6, $0x6  }
0x8: {  	s3 =	sadd.s32 $0x2400, s4;
	s6 =	ssub.s32 $0x2, s6;
	s7 =	sor.u32 s8, s7  }
0x9: {  	_ =	strace $0x80000047;
	s9 =	sshrl.u32 s6, $0x1;
	s8 =	sshll.u32 s7, $0x5  }
0xa: {  	v2 =	vlaneseq.u32;
	s7 =	sshrl.u32 s7, $0x3;
	s6 =	ssub.s32 s6, s9;
	s9 =	simm.s32 $0x880  }
0xb: {  	vm0 =	vmmov $0xffff;
	v1 =	vshrl.u32 v2, $0x3;
	s8 =	sadd.s32 s8, s4;
	s4 =	sadd.s32 s5, s7;
	s6 =	smax.u32 s6, $0x1  }
0xc: {  	v0 =	vand.u32 $0x7, v2;
	v2 =	vor.u32 $0x8, v2;
	v1 =	vmul.u32 $0x8, v1;
	s7 =	simm.s32 $0x2;
	s5 =	sadd.s32 $0x50600, s8;
	s8 =	simm.s32 $0x80  }
.LBB2_1:
0xd: {  	[tilespmem:s2], [sflag:$0x2] =	stream.linear.gather [hbm4b:s4+s2], $0x40, $0x38;
	[tilespmem:$0x4080] =	vst v63  }
0xe: {  	_ =	swait.ge [sflag:s7], $0x40  }
0xf: {  	[sflag:s7] =	ssyncset.done $0x0  }
0x10: {  	[sflag:s7] =	ssyncadd.s32 $0xFFFFFFC0  }
0x11: {  	v3 =	vld [tilespmem:$0x0];
	_ =	sdelay $0x4  }
0x12: {  	v4 =	vshll.u32 v3, $0x1  }
0x13: {  	v3 =	vand.u32 $0x7, v3;
	v4 =	vand.u32 $0xFFFFFFF0, v4  }
0x14: {  	v3 =	vor.u32 v3, v4  }
0x15: {  	v4 =	vperm.xlane v3, v0;
	_ =	sdelay $0x1  }
0x16: {  	v3 =	vperm.xlane v3, v2;
	v4 =	vadd.s32 v1, v4;
	_ =	sdelay $0x1  }
0x17: {  	v3 =	vadd.s32 v1, v3;
	_ =	sdelay $0x2  }
0x18: {  	[tilespmem:s8], [sflag:$0x1] =	stream.indirect_vreg.gather [hbm4b:s3+s2], $0x80, v4, vm0, $0xb8;
	[tilespmem:$0x4080] =	vst v63  }
0x19: {  	_ = 	snop  }
0x1a: {  	[tilespmem:s9], [sflag:$0x1] =	stream.indirect_vreg.gather [hbm4b:s3+s2], $0x80, v3, vm0, $0xb8;
	[tilespmem:$0x4080] =	vst v63  }
0x1b: {  	v3 =	vld [tilespmem:$0x10];
	_ =	sdelay $0x4  }
0x1c: {  	v61 =	vshll.u32 v3, $0x1  }
0x1d: {  	v3 =	vand.u32 $0x7, v3;
	v4 =	vand.u32 $0xFFFFFFF0, v61  }
0x1e: {  	v3 =	vor.u32 v3, v4  }
0x1f: {  	v4 =	vperm.xlane v3, v0;
	_ =	sdelay $0x1  }
0x20: {  	v3 =	vperm.xlane v3, v2;
	v4 =	vadd.s32 v1, v4;
	_ =	sdelay $0x1  }
0x21: {  	v3 =	vadd.s32 v1, v3;
	_ =	sdelay $0x2  }
0x22: {  	[tilespmem:s10], [sflag:$0x1] =	stream.indirect_vreg.gather [hbm4b:s3+s2], $0x80, v4, vm0, $0xb8;
	[tilespmem:$0x4080] =	vst v63  }
0x23: {  	_ = 	snop  }
0x24: {  	[tilespmem:s11], [sflag:$0x1] =	stream.indirect_vreg.gather [hbm4b:s3+s2], $0x80, v3, vm0, $0xb8;
	[tilespmem:$0x4080] =	vst v63  }
0x25: {  	v3 =	vld [tilespmem:$0x20];
	_ =	sdelay $0x4  }
0x26: {  	v62 =	vshll.u32 v3, $0x1  }
0x27: {  	v3 =	vand.u32 $0x7, v3;
	v4 =	vand.u32 $0xFFFFFFF0, v62  }
0x28: {  	v3 =	vor.u32 v3, v4  }
0x29: {  	v4 =	vperm.xlane v3, v0;
	_ =	sdelay $0x1  }
0x2a: {  	v3 =	vperm.xlane v3, v2;
	v4 =	vadd.s32 v1, v4;
	_ =	sdelay $0x1  }
0x2b: {  	v3 =	vadd.s32 v1, v3;
	_ =	sdelay $0x2  }
0x2c: {  	[tilespmem:s12], [sflag:$0x1] =	stream.indirect_vreg.gather [hbm4b:s3+s2], $0x80, v4, vm0, $0xb8;
	[tilespmem:$0x4080] =	vst v63  }
0x2d: {  	_ = 	snop  }
0x2e: {  	[tilespmem:s13], [sflag:$0x1] =	stream.indirect_vreg.gather [hbm4b:s3+s2], $0x80, v3, vm0, $0xb8;
	[tilespmem:$0x4080] =	vst v63  }
0x2f: {  	v3 =	vld [tilespmem:$0x30];
	_ =	sdelay $0x4  }
0x30: {  	v63 =	vshll.u32 v3, $0x1  }
0x31: {  	v3 =	vand.u32 $0x7, v3;
	v4 =	vand.u32 $0xFFFFFFF0, v63  }
0x32: {  	v3 =	vor.u32 v3, v4  }
0x33: {  	v4 =	vperm.xlane v3, v0;
	_ =	sdelay $0x1  }
0x34: {  	v3 =	vperm.xlane v3, v2;
	v4 =	vadd.s32 v1, v4;
	_ =	sdelay $0x1  }
0x35: {  	v3 =	vadd.s32 v1, v3;
	_ =	sdelay $0x2  }
0x36: {  	[tilespmem:s14], [sflag:$0x1] =	stream.indirect_vreg.gather [hbm4b:s3+s2], $0x80, v4, vm0, $0xb8;
	[tilespmem:$0x4080] =	vst v63  }
0x37: {  	_ = 	snop  }
0x38: {  	[tilespmem:s15], [sflag:$0x1] =	stream.indirect_vreg.gather [hbm4b:s3+s2], $0x80, v3, vm0, $0xb8;
	[tilespmem:$0x4080] =	vst v63  }
0x39: {  	_ =	swait.ge [sflag:s16], $0x4000  }
0x3a: {  	p0 =	sne.s32 s6, $0x1;
	[sflag:s16] =	ssyncset.done $0x0  }
.Ltmp0:
0x3b: {  	[sflag:s16] =	ssyncadd.s32 $0xFFFFC000;
	(pc) =	sbr.rel @p0 .LBB2_1-.Ltmp0, $4  }
0x3c: {  	[hbm4b:s5+s2] =	stream.linear.scatter [tilespmem:s8], [sflag:$0x2], $0x4000, $0x38;
	[tilespmem:$0x4080] =	vst v63  }
0x3d: {  	_ =	swait.ge [sflag:s7], $0x4000  }
0x3e: {  	[sflag:s7] =	ssyncset.done $0x0  }
0x3f: {  	s6 =	sadd.s32 $0xFFFFFFFF, s6;
	[sflag:s7] =	ssyncadd.s32 $0xFFFFC000  }
0x40: {  	_ =	sfence.sel $0x180000  }
0x41: {  	[bflag:$0x0] =	sbarrier.arrive $0xFFFF  }
0x42: {  	p0 =	sne.s32 s1, $0x0;
	_ =	strace $0x90000047  }
0x43: {  	s0 =	sadd.s32 @!p0 $0x100000, s0;
	[bflag:$0x2] =	sbarrier.arrive $0xFFFF  }
0x44: {  	[sflag:s0] =	ssyncadd.tile.s32 @!p0 $0x1;
	_ =	shalt  }
.Lfunc_end2:
_tile_overlayer_lowered:
.L_overlay_start_2:
0x45: {  	(tag) =	ssettag $0x2  }
0x46: {  	s0 =	rddreg [dreg:$0x0];
	s2 =	stileid.u32  }
0x47: {  	s1 =	rddreg [dreg:$0x1];
	p0 =	sne.s32 s2, $0x0  }
0x48: {  	s3 =	rddreg [dreg:$0x2];
	[bflag:$0x3] =	sbarrier.arrive $0xFFFF;
	s2 =	simm.s32 @!p0 $0x1C02  }
0x49: {  	[timem:s3], [sflag:s2] =	dma.local @!p0 [hbm:s0], s1  }
0x4a: {  	s0 =	simm.s32 @!p0 $0x2  }
0x4b: {  	_ =	swait.ge @!p0 [sflag:s0], s1  }
0x4c: {  	s1 =	ssub.s32 @!p0 $0x0, s1;
	[sflag:s0] =	ssyncset.done @!p0 $0x0  }
0x4d: {  	[sflag:s0] =	ssyncadd.s32 @!p0 s1  }
0x4e: {  	[bflag:$0x3] =	sbarrier.arrive $0xFFFF  }
0x4f: {  	_ =	shalt  }

</sc_bundles>
